<compile_context>
chip_gen: v7x
topology: tpu7x:2x2x1
jax: 0.10.2.dev20260603
libtpu: 0.0.44.dev20260713+nightly
codegen_flags: <defaults>
</compile_context>

<pallas_src>
import jax
import jax.numpy as jnp
from jax import lax
from jax.experimental import pallas as pl
from jax.experimental.pallas import tpu as pltpu
from jax.experimental.pallas import tpu_sc as plsc

D_MODEL = 1024
TIME_STEPS = 16
MAX_LATENCY = 10

L = 16
NC = 2
NS = 16
NW = NC * NS
C = 2048
_RNE = 1.5 * 2.0**23


def _sc_body(x_hbm, out_hbm, xv, obuf, sem_in, sem_out):
    wid = lax.axis_index("s") * NC + lax.axis_index("c")

    zeros = jnp.zeros((L,), jnp.float32)
    ones = jnp.ones((L,), jnp.float32)

    def zinit(j, carry):
        for buf in range(2):
            for k in range(MAX_LATENCY + 1, TIME_STEPS):
                obuf[buf, pl.ds(k * C + j * L, L)] = zeros
        return carry

    lax.fori_loop(0, C // L, zinit, 0)

    N = x_hbm.shape[0]
    P = N // 2
    per_worker = N // NW
    n_chunks = per_worker // C
    base = wid * per_worker

    def in_copy(g, buf):
        q0 = pl.multiple_of(base + g * C, C)
        return pltpu.make_async_copy(
            x_hbm.at[pl.ds(q0, C)], xv.at[buf], sem_in.at[buf])

    def out_copy(g, buf):
        q0 = pl.multiple_of((base + g * C) * TIME_STEPS, C)
        return pltpu.make_async_copy(
            obuf.at[buf],
            out_hbm.at[pl.ds(q0, TIME_STEPS * C)],
            sem_out.at[buf])

    def compute(buf):
        def vec(j, carry):
            v = xv[buf, pl.ds(j * L, L)]
            s = 1.0 / (1.0 + jnp.exp(-v))
            y = MAX_LATENCY * (1.0 - s)
            t = (y + _RNE) - _RNE
            for k in range(MAX_LATENCY + 1):
                obuf[buf, k, pl.ds(j * L, L)] = jnp.where(
                    t == jnp.float32(k), ones, zeros)
            return carry

        lax.fori_loop(0, C // L, vec, 0)

    in_copy(0, 0).start()
    in_copy(1, 1).start()

    def pair(jj, carry):
        for buf in range(2):
            g = jj * 2 + buf
            in_copy(g, buf).wait()

            @pl.when(g >= 2)
            def _():
                out_copy(g - 2, buf).wait()

            out_copy(g, buf).start()

            @pl.when(g + 2 < n_chunks)
            def _():
                in_copy(g + 2, buf).start()

        return carry

    lax.fori_loop(0, n_chunks // 2, pair, 0)
    out_copy(n_chunks - 2, 0).wait()
    out_copy(n_chunks - 1, 1).wait()


def kernel(x):
    B, S, D = x.shape
    P = S * D
    xf = x.reshape(B * P)
    mesh = plsc.VectorSubcoreMesh(core_axis_name="c", subcore_axis_name="s")
    out = pl.kernel(
        _sc_body,
        mesh=mesh,
        out_type=jax.ShapeDtypeStruct((B * TIME_STEPS * P,), jnp.float32),
        scratch_types=[
            pltpu.VMEM((2, C), jnp.float32),
            pltpu.VMEM((2, TIME_STEPS * C), jnp.float32),
            pltpu.SemaphoreType.DMA((2,)),
            pltpu.SemaphoreType.DMA((2,)),
        ],
    )(xf)
    return out.reshape(B, TIME_STEPS, S, D)

# --- scband reference (transcript-rebuilt; emitter-appended) ---
"""Pipeline reference for scband-ttfsencoder-60000693125486 (READ-ONLY COPY).

The authoritative reference and input builder live on the scoring server;
editing this copy changes nothing except your own understanding.
"""

import jax, jax.numpy as jnp
import numpy as np

D_MODEL = 1024
TIME_STEPS = 16
MAX_LATENCY = 10  # min(10, time_steps)


def setup_inputs(seed: int = 0) -> dict:
    key = jax.random.key(seed)
    x = jax.random.normal(key, (2, 2048, D_MODEL), dtype=jnp.float32)
    return {"x": x}


def reference(x):
    B, S, D = x.shape
    x_activated = jax.nn.sigmoid(x)
    spike_times = jnp.round(MAX_LATENCY * (1.0 - x_activated)).astype(jnp.int32)
    spike_times = jnp.clip(spike_times, 0, TIME_STEPS - 1)
    spikes = jnp.zeros((B, TIME_STEPS, S, D), dtype=jnp.float32)
    batch_idx = jnp.broadcast_to(jnp.arange(B).reshape(-1, 1, 1), (B, S, D))
    seq_idx = jnp.broadcast_to(jnp.arange(S).reshape(1, -1, 1), (B, S, D))
    embed_idx = jnp.broadcast_to(jnp.arange(D).reshape(1, 1, -1), (B, S, D))
    spikes = spikes.at[batch_idx, spike_times, seq_idx, embed_idx].set(1.0)
    return spikes

if __name__ == "__main__":
    import jax
    _d = setup_inputs()
    print(jax.jit(kernel)(*tuple(_d.values())))

</pallas_src>

<mosaic_0001>
#map = affine_map<(d0, d1) -> (0)>
module attributes {stable_mosaic.version = 14 : i64} {
  func.func @_sc_body(%arg0: i32, %arg1: i32, %arg2: memref<4194304xf32, #tpu.memory_space<hbm>>, %arg3: memref<67108864xf32, #tpu.memory_space<hbm>>, %arg4: memref<2x2048xf32, #tpu.memory_space<vmem>>, %arg5: memref<2x32768xf32, #tpu.memory_space<vmem>>, %arg6: memref<2x!tpu.dma_semaphore, #tpu.memory_space<semaphore_mem>>, %arg7: memref<2x!tpu.dma_semaphore, #tpu.memory_space<semaphore_mem>>) attributes {dimension_semantics = [#tpu.dimension_semantics<core_parallel>, #tpu.dimension_semantics<subcore_parallel>], iteration_bounds = array<i64: 2, 16>, scalar_prefetch = 0 : i64, scratch_operands = 4 : i64, tpu.core_type = #tpu.core_type<sc_vector_subcore>, window_params = [{transform_indices = #map}, {transform_indices = #map}]} {
    %mul3A = arith.constant 2 : i32
    %mul3A_0 = arith.muli %arg1, %mul3A : i32
    %add3A = arith.addi %mul3A_0, %arg0 : i32
    %broadcast_in_dim3A = arith.constant 0.000000e+00 : f32
    %broadcast_in_dim3A_1 = vector.broadcast %broadcast_in_dim3A : f32 to vector<16xf32>
    %broadcast_in_dim3A_2 = arith.constant 1.000000e+00 : f32
    %broadcast_in_dim3A_3 = vector.broadcast %broadcast_in_dim3A_2 : f32 to vector<16xf32>
    %scan3A = arith.constant 0 : i32
    %scan3A_4 = arith.constant 0 : i32
    %scan3A_5 = arith.constant 128 : i32
    %scan3A_6 = arith.addi %scan3A_4, %scan3A_5 : i32
    %scan3A_7 = arith.constant 1 : i32
    scf.for %scan3A_78 = %scan3A_4 to %scan3A_6 step %scan3A_7  : i32 {
      %mul3A_79 = arith.constant 16 : i32
      %mul3A_80 = arith.muli %scan3A_78, %mul3A_79 : i32
      %add3A_81 = arith.constant 22528 : i32
      %add3A_82 = arith.addi %add3A_81, %mul3A_80 : i32
      %swap3A = arith.constant 0 : i32
      %swap3A_83 = arith.index_cast %swap3A : i32 to index
      %swap3A_84 = arith.index_cast %add3A_82 : i32 to index
      %swap3A_85 = tpu.vector_load %arg5[%swap3A_83, %swap3A_84] {strides = array<i32>} : memref<2x32768xf32, #tpu.memory_space<vmem>>, vector<1x16xf32>,
      %swap3A_86 = vector.shape_cast %swap3A_85 : vector<1x16xf32> to vector<16xf32>
      %swap3A_87 = vector.shape_cast %broadcast_in_dim3A_1 : vector<16xf32> to vector<1x16xf32>
      tpu.vector_store %arg5[%swap3A_83, %swap3A_84], %swap3A_87 {strides = array<i32>} : memref<2x32768xf32, #tpu.memory_space<vmem>>, vector<1x16xf32>,
      %mul3A_88 = arith.constant 16 : i32
      %mul3A_89 = arith.muli %scan3A_78, %mul3A_88 : i32
      %add3A_90 = arith.constant 24576 : i32
      %add3A_91 = arith.addi %add3A_90, %mul3A_89 : i32
      %swap3A_92 = arith.constant 0 : i32
      %swap3A_93 = arith.index_cast %swap3A_92 : i32 to index
      %swap3A_94 = arith.index_cast %add3A_91 : i32 to index
      %swap3A_95 = tpu.vector_load %arg5[%swap3A_93, %swap3A_94] {strides = array<i32>} : memref<2x32768xf32, #tpu.memory_space<vmem>>, vector<1x16xf32>,
      %swap3A_96 = vector.shape_cast %swap3A_95 : vector<1x16xf32> to vector<16xf32>
      %swap3A_97 = vector.shape_cast %broadcast_in_dim3A_1 : vector<16xf32> to vector<1x16xf32>
      tpu.vector_store %arg5[%swap3A_93, %swap3A_94], %swap3A_97 {strides = array<i32>} : memref<2x32768xf32, #tpu.memory_space<vmem>>, vector<1x16xf32>,
      %mul3A_98 = arith.constant 16 : i32
      %mul3A_99 = arith.muli %scan3A_78, %mul3A_98 : i32
      %add3A_100 = arith.constant 26624 : i32
      %add3A_101 = arith.addi %add3A_100, %mul3A_99 : i32
      %swap3A_102 = arith.constant 0 : i32
      %swap3A_103 = arith.index_cast %swap3A_102 : i32 to index
      %swap3A_104 = arith.index_cast %add3A_101 : i32 to index
      %swap3A_105 = tpu.vector_load %arg5[%swap3A_103, %swap3A_104] {strides = array<i32>} : memref<2x32768xf32, #tpu.memory_space<vmem>>, vector<1x16xf32>,
      %swap3A_106 = vector.shape_cast %swap3A_105 : vector<1x16xf32> to vector<16xf32>
      %swap3A_107 = vector.shape_cast %broadcast_in_dim3A_1 : vector<16xf32> to vector<1x16xf32>
      tpu.vector_store %arg5[%swap3A_103, %swap3A_104], %swap3A_107 {strides = array<i32>} : memref<2x32768xf32, #tpu.memory_space<vmem>>, vector<1x16xf32>,
      %mul3A_108 = arith.constant 16 : i32
      %mul3A_109 = arith.muli %scan3A_78, %mul3A_108 : i32
      %add3A_110 = arith.constant 28672 : i32
      %add3A_111 = arith.addi %add3A_110, %mul3A_109 : i32
      %swap3A_112 = arith.constant 0 : i32
      %swap3A_113 = arith.index_cast %swap3A_112 : i32 to index
      %swap3A_114 = arith.index_cast %add3A_111 : i32 to index
      %swap3A_115 = tpu.vector_load %arg5[%swap3A_113, %swap3A_114] {strides = array<i32>} : memref<2x32768xf32, #tpu.memory_space<vmem>>, vector<1x16xf32>,
      %swap3A_116 = vector.shape_cast %swap3A_115 : vector<1x16xf32> to vector<16xf32>
      %swap3A_117 = vector.shape_cast %broadcast_in_dim3A_1 : vector<16xf32> to vector<1x16xf32>
      tpu.vector_store %arg5[%swap3A_113, %swap3A_114], %swap3A_117 {strides = array<i32>} : memref<2x32768xf32, #tpu.memory_space<vmem>>, vector<1x16xf32>,
      %mul3A_118 = arith.constant 16 : i32
      %mul3A_119 = arith.muli %scan3A_78, %mul3A_118 : i32
      %add3A_120 = arith.constant 30720 : i32
      %add3A_121 = arith.addi %add3A_120, %mul3A_119 : i32
      %swap3A_122 = arith.constant 0 : i32
      %swap3A_123 = arith.index_cast %swap3A_122 : i32 to index
      %swap3A_124 = arith.index_cast %add3A_121 : i32 to index
      %swap3A_125 = tpu.vector_load %arg5[%swap3A_123, %swap3A_124] {strides = array<i32>} : memref<2x32768xf32, #tpu.memory_space<vmem>>, vector<1x16xf32>,
      %swap3A_126 = vector.shape_cast %swap3A_125 : vector<1x16xf32> to vector<16xf32>
      %swap3A_127 = vector.shape_cast %broadcast_in_dim3A_1 : vector<16xf32> to vector<1x16xf32>
      tpu.vector_store %arg5[%swap3A_123, %swap3A_124], %swap3A_127 {strides = array<i32>} : memref<2x32768xf32, #tpu.memory_space<vmem>>, vector<1x16xf32>,
      %mul3A_128 = arith.constant 16 : i32
      %mul3A_129 = arith.muli %scan3A_78, %mul3A_128 : i32
      %add3A_130 = arith.constant 22528 : i32
      %add3A_131 = arith.addi %add3A_130, %mul3A_129 : i32
      %swap3A_132 = arith.constant 1 : i32
      %swap3A_133 = arith.index_cast %swap3A_132 : i32 to index
      %swap3A_134 = arith.index_cast %add3A_131 : i32 to index
      %swap3A_135 = tpu.vector_load %arg5[%swap3A_133, %swap3A_134] {strides = array<i32>} : memref<2x32768xf32, #tpu.memory_space<vmem>>, vector<1x16xf32>,
      %swap3A_136 = vector.shape_cast %swap3A_135 : vector<1x16xf32> to vector<16xf32>
      %swap3A_137 = vector.shape_cast %broadcast_in_dim3A_1 : vector<16xf32> to vector<1x16xf32>
      tpu.vector_store %arg5[%swap3A_133, %swap3A_134], %swap3A_137 {strides = array<i32>} : memref<2x32768xf32, #tpu.memory_space<vmem>>, vector<1x16xf32>,
      %mul3A_138 = arith.constant 16 : i32
      %mul3A_139 = arith.muli %scan3A_78, %mul3A_138 : i32
      %add3A_140 = arith.constant 24576 : i32
      %add3A_141 = arith.addi %add3A_140, %mul3A_139 : i32
      %swap3A_142 = arith.constant 1 : i32
      %swap3A_143 = arith.index_cast %swap3A_142 : i32 to index
      %swap3A_144 = arith.index_cast %add3A_141 : i32 to index
      %swap3A_145 = tpu.vector_load %arg5[%swap3A_143, %swap3A_144] {strides = array<i32>} : memref<2x32768xf32, #tpu.memory_space<vmem>>, vector<1x16xf32>,
      %swap3A_146 = vector.shape_cast %swap3A_145 : vector<1x16xf32> to vector<16xf32>
      %swap3A_147 = vector.shape_cast %broadcast_in_dim3A_1 : vector<16xf32> to vector<1x16xf32>
      tpu.vector_store %arg5[%swap3A_143, %swap3A_144], %swap3A_147 {strides = array<i32>} : memref<2x32768xf32, #tpu.memory_space<vmem>>, vector<1x16xf32>,
      %mul3A_148 = arith.constant 16 : i32
      %mul3A_149 = arith.muli %scan3A_78, %mul3A_148 : i32
      %add3A_150 = arith.constant 26624 : i32
      %add3A_151 = arith.addi %add3A_150, %mul3A_149 : i32
      %swap3A_152 = arith.constant 1 : i32
      %swap3A_153 = arith.index_cast %swap3A_152 : i32 to index
      %swap3A_154 = arith.index_cast %add3A_151 : i32 to index
      %swap3A_155 = tpu.vector_load %arg5[%swap3A_153, %swap3A_154] {strides = array<i32>} : memref<2x32768xf32, #tpu.memory_space<vmem>>, vector<1x16xf32>,
      %swap3A_156 = vector.shape_cast %swap3A_155 : vector<1x16xf32> to vector<16xf32>
      %swap3A_157 = vector.shape_cast %broadcast_in_dim3A_1 : vector<16xf32> to vector<1x16xf32>
      tpu.vector_store %arg5[%swap3A_153, %swap3A_154], %swap3A_157 {strides = array<i32>} : memref<2x32768xf32, #tpu.memory_space<vmem>>, vector<1x16xf32>,
      %mul3A_158 = arith.constant 16 : i32
      %mul3A_159 = arith.muli %scan3A_78, %mul3A_158 : i32
      %add3A_160 = arith.constant 28672 : i32
      %add3A_161 = arith.addi %add3A_160, %mul3A_159 : i32
      %swap3A_162 = arith.constant 1 : i32
      %swap3A_163 = arith.index_cast %swap3A_162 : i32 to index
      %swap3A_164 = arith.index_cast %add3A_161 : i32 to index
      %swap3A_165 = tpu.vector_load %arg5[%swap3A_163, %swap3A_164] {strides = array<i32>} : memref<2x32768xf32, #tpu.memory_space<vmem>>, vector<1x16xf32>,
      %swap3A_166 = vector.shape_cast %swap3A_165 : vector<1x16xf32> to vector<16xf32>
      %swap3A_167 = vector.shape_cast %broadcast_in_dim3A_1 : vector<16xf32> to vector<1x16xf32>
      tpu.vector_store %arg5[%swap3A_163, %swap3A_164], %swap3A_167 {strides = array<i32>} : memref<2x32768xf32, #tpu.memory_space<vmem>>, vector<1x16xf32>,
      %mul3A_168 = arith.constant 16 : i32
      %mul3A_169 = arith.muli %scan3A_78, %mul3A_168 : i32
      %add3A_170 = arith.constant 30720 : i32
      %add3A_171 = arith.addi %add3A_170, %mul3A_169 : i32
      %swap3A_172 = arith.constant 1 : i32
      %swap3A_173 = arith.index_cast %swap3A_172 : i32 to index
      %swap3A_174 = arith.index_cast %add3A_171 : i32 to index
      %swap3A_175 = tpu.vector_load %arg5[%swap3A_173, %swap3A_174] {strides = array<i32>} : memref<2x32768xf32, #tpu.memory_space<vmem>>, vector<1x16xf32>,
      %swap3A_176 = vector.shape_cast %swap3A_175 : vector<1x16xf32> to vector<16xf32>
      %swap3A_177 = vector.shape_cast %broadcast_in_dim3A_1 : vector<16xf32> to vector<1x16xf32>
      tpu.vector_store %arg5[%swap3A_173, %swap3A_174], %swap3A_177 {strides = array<i32>} : memref<2x32768xf32, #tpu.memory_space<vmem>>, vector<1x16xf32>,
    }
    %scan3A_8 = arith.constant 128 : i32
    %mul3A_9 = arith.constant 131072 : i32
    %mul3A_10 = arith.muli %add3A, %mul3A_9 : i32
    %add3A_11 = arith.constant 0 : i32
    %add3A_12 = arith.addi %mul3A_10, %add3A_11 : i32
    %multiple_of3A = tpu.assume_multiple %add3A_12, 2048 : i32
    %dma_start3A = arith.constant 0 : i32
    %dma_start3A_13 = arith.constant 0 : i32
    %dma_start3A_14 = arith.constant 0 : i32
    %dma_start3A_15 = tpu.memref_slice %arg4[%dma_start3A, %dma_start3A_14] : memref<2x2048xf32, #tpu.memory_space<vmem>> -> memref<1x2048xf32, #tpu.memory_space<vmem>>
    %dma_start3A_16 = tpu.memref_squeeze %dma_start3A_15 : memref<1x2048xf32, #tpu.memory_space<vmem>> -> memref<2048xf32, #tpu.memory_space<vmem>>
    %dma_start3A_17 = tpu.memref_slice %arg2[%multiple_of3A] : memref<4194304xf32, #tpu.memory_space<hbm>> -> memref<2048xf32, #tpu.memory_space<hbm>>
    %dma_start3A_18 = tpu.memref_slice %arg6[%dma_start3A_13] : memref<2x!tpu.dma_semaphore, #tpu.memory_space<semaphore_mem>> -> memref<1x!tpu.dma_semaphore, #tpu.memory_space<semaphore_mem>>
    %dma_start3A_19 = tpu.memref_squeeze %dma_start3A_18 : memref<1x!tpu.dma_semaphore, #tpu.memory_space<semaphore_mem>> -> memref<!tpu.dma_semaphore, #tpu.memory_space<semaphore_mem>>
    %dma_start3A_20 = arith.constant 0 : i32
    %dma_start3A_21 = tpu.memref_slice %arg4[%dma_start3A, %dma_start3A_20] : memref<2x2048xf32, #tpu.memory_space<vmem>> -> memref<1x2048xf32, #tpu.memory_space<vmem>>
    %dma_start3A_22 = tpu.memref_squeeze %dma_start3A_21 : memref<1x2048xf32, #tpu.memory_space<vmem>> -> memref<2048xf32, #tpu.memory_space<vmem>>
    %dma_start3A_23 = tpu.memref_slice %arg2[%multiple_of3A] : memref<4194304xf32, #tpu.memory_space<hbm>> -> memref<2048xf32, #tpu.memory_space<hbm>>
    tpu.enqueue_dma source(%dma_start3A_23 : memref<2048xf32, #tpu.memory_space<hbm>>) target(%dma_start3A_22 : memref<2048xf32, #tpu.memory_space<vmem>>) target_semaphore(%dma_start3A_19 : memref<!tpu.dma_semaphore, #tpu.memory_space<semaphore_mem>>)
    %add3A_24 = arith.constant 2048 : i32
    %add3A_25 = arith.addi %mul3A_10, %add3A_24 : i32
    %multiple_of3A_26 = tpu.assume_multiple %add3A_25, 2048 : i32
    %dma_start3A_27 = arith.constant 1 : i32
    %dma_start3A_28 = arith.constant 1 : i32
    %dma_start3A_29 = arith.constant 0 : i32
    %dma_start3A_30 = tpu.memref_slice %arg4[%dma_start3A_27, %dma_start3A_29] : memref<2x2048xf32, #tpu.memory_space<vmem>> -> memref<1x2048xf32, #tpu.memory_space<vmem>>
    %dma_start3A_31 = tpu.memref_squeeze %dma_start3A_30 : memref<1x2048xf32, #tpu.memory_space<vmem>> -> memref<2048xf32, #tpu.memory_space<vmem>>
    %dma_start3A_32 = tpu.memref_slice %arg2[%multiple_of3A_26] : memref<4194304xf32, #tpu.memory_space<hbm>> -> memref<2048xf32, #tpu.memory_space<hbm>>
    %dma_start3A_33 = tpu.memref_slice %arg6[%dma_start3A_28] : memref<2x!tpu.dma_semaphore, #tpu.memory_space<semaphore_mem>> -> memref<1x!tpu.dma_semaphore, #tpu.memory_space<semaphore_mem>>
    %dma_start3A_34 = tpu.memref_squeeze %dma_start3A_33 : memref<1x!tpu.dma_semaphore, #tpu.memory_space<semaphore_mem>> -> memref<!tpu.dma_semaphore, #tpu.memory_space<semaphore_mem>>
    %dma_start3A_35 = arith.constant 0 : i32
    %dma_start3A_36 = tpu.memref_slice %arg4[%dma_start3A_27, %dma_start3A_35] : memref<2x2048xf32, #tpu.memory_space<vmem>> -> memref<1x2048xf32, #tpu.memory_space<vmem>>
    %dma_start3A_37 = tpu.memref_squeeze %dma_start3A_36 : memref<1x2048xf32, #tpu.memory_space<vmem>> -> memref<2048xf32, #tpu.memory_space<vmem>>
    %dma_start3A_38 = tpu.memref_slice %arg2[%multiple_of3A_26] : memref<4194304xf32, #tpu.memory_space<hbm>> -> memref<2048xf32, #tpu.memory_space<hbm>>
    tpu.enqueue_dma source(%dma_start3A_38 : memref<2048xf32, #tpu.memory_space<hbm>>) target(%dma_start3A_37 : memref<2048xf32, #tpu.memory_space<vmem>>) target_semaphore(%dma_start3A_34 : memref<!tpu.dma_semaphore, #tpu.memory_space<semaphore_mem>>)
    %scan3A_39 = arith.constant 0 : i32
    %scan3A_40 = arith.constant 0 : i32
    %scan3A_41 = arith.constant 32 : i32
    %scan3A_42 = arith.addi %scan3A_40, %scan3A_41 : i32
    %scan3A_43 = arith.constant 1 : i32
    scf.for %scan3A_78 = %scan3A_40 to %scan3A_42 step %scan3A_43  : i32 {
      %mul3A_79 = arith.constant 2 : i32
      %mul3A_80 = arith.muli %scan3A_78, %mul3A_79 : i32
      %add3A_81 = arith.constant 0 : i32
      %add3A_82 = arith.addi %mul3A_80, %add3A_81 : i32
      %mul3A_83 = arith.constant 2048 : i32
      %mul3A_84 = arith.muli %add3A_82, %mul3A_83 : i32
      %add3A_85 = arith.addi %mul3A_10, %mul3A_84 : i32
      %multiple_of3A_86 = tpu.assume_multiple %add3A_85, 2048 : i32
      %dma_wait3A_87 = arith.constant 0 : i32
      %dma_wait3A_88 = arith.constant 0 : i32
      %dma_wait3A_89 = arith.constant 0 : i32
      %dma_wait3A_90 = tpu.memref_slice %arg4[%dma_wait3A_87, %dma_wait3A_89] : memref<2x2048xf32, #tpu.memory_space<vmem>> -> memref<1x2048xf32, #tpu.memory_space<vmem>>
      %dma_wait3A_91 = tpu.memref_squeeze %dma_wait3A_90 : memref<1x2048xf32, #tpu.memory_space<vmem>> -> memref<2048xf32, #tpu.memory_space<vmem>>
      %dma_wait3A_92 = tpu.memref_slice %arg2[%multiple_of3A_86] : memref<4194304xf32, #tpu.memory_space<hbm>> -> memref<2048xf32, #tpu.memory_space<hbm>>
      %dma_wait3A_93 = tpu.memref_slice %arg6[%dma_wait3A_88] : memref<2x!tpu.dma_semaphore, #tpu.memory_space<semaphore_mem>> -> memref<1x!tpu.dma_semaphore, #tpu.memory_space<semaphore_mem>>
      %dma_wait3A_94 = tpu.memref_squeeze %dma_wait3A_93 : memref<1x!tpu.dma_semaphore, #tpu.memory_space<semaphore_mem>> -> memref<!tpu.dma_semaphore, #tpu.memory_space<semaphore_mem>>
      %dma_wait3A_95 = arith.constant 0 : i32
      %dma_wait3A_96 = tpu.memref_slice %arg4[%dma_wait3A_87, %dma_wait3A_95] : memref<2x2048xf32, #tpu.memory_space<vmem>> -> memref<1x2048xf32, #tpu.memory_space<vmem>>
      %dma_wait3A_97 = tpu.memref_squeeze %dma_wait3A_96 : memref<1x2048xf32, #tpu.memory_space<vmem>> -> memref<2048xf32, #tpu.memory_space<vmem>>
      %dma_wait3A_98 = tpu.memref_slice %arg2[%multiple_of3A_86] : memref<4194304xf32, #tpu.memory_space<hbm>> -> memref<2048xf32, #tpu.memory_space<hbm>>
      tpu.wait_dma2 semaphore(%dma_wait3A_94 : memref<!tpu.dma_semaphore, #tpu.memory_space<semaphore_mem>>) src(%dma_wait3A_98 : memref<2048xf32, #tpu.memory_space<hbm>>) dst(%dma_wait3A_97 : memref<2048xf32, #tpu.memory_space<vmem>>)
      %ge3A = arith.constant 2 : i32
      %ge3A_99 = arith.cmpi sge, %add3A_82, %ge3A : i32
      %convert_element_type3A = arith.extui %ge3A_99 : i1 to i32
      %cond3A = arith.constant 0 : i32
      %cond3A_100 = arith.cmpi ne, %convert_element_type3A, %cond3A : i32
      scf.if %cond3A_100 {
        %sub3A = arith.constant 2 : i32
        %sub3A_175 = arith.subi %add3A_82, %sub3A : i32
        %mul3A_176 = arith.constant 2048 : i32
        %mul3A_177 = arith.muli %sub3A_175, %mul3A_176 : i32
        %add3A_178 = arith.addi %mul3A_10, %mul3A_177 : i32
        %mul3A_179 = arith.constant 16 : i32
        %mul3A_180 = arith.muli %add3A_178, %mul3A_179 : i32
        %multiple_of3A_181 = tpu.assume_multiple %mul3A_180, 2048 : i32
        %dma_wait3A_182 = arith.constant 0 : i32
        %dma_wait3A_183 = arith.constant 0 : i32
        %dma_wait3A_184 = arith.constant 0 : i32
        %dma_wait3A_185 = tpu.memref_slice %arg5[%dma_wait3A_182, %dma_wait3A_184] : memref<2x32768xf32, #tpu.memory_space<vmem>> -> memref<1x32768xf32, #tpu.memory_space<vmem>>
        %dma_wait3A_186 = tpu.memref_squeeze %dma_wait3A_185 : memref<1x32768xf32, #tpu.memory_space<vmem>> -> memref<32768xf32, #tpu.memory_space<vmem>>
        %dma_wait3A_187 = tpu.memref_slice %arg3[%multiple_of3A_181] : memref<67108864xf32, #tpu.memory_space<hbm>> -> memref<32768xf32, #tpu.memory_space<hbm>>
        %dma_wait3A_188 = tpu.memref_slice %arg7[%dma_wait3A_183] : memref<2x!tpu.dma_semaphore, #tpu.memory_space<semaphore_mem>> -> memref<1x!tpu.dma_semaphore, #tpu.memory_space<semaphore_mem>>
        %dma_wait3A_189 = tpu.memref_squeeze %dma_wait3A_188 : memref<1x!tpu.dma_semaphore, #tpu.memory_space<semaphore_mem>> -> memref<!tpu.dma_semaphore, #tpu.memory_space<semaphore_mem>>
        %dma_wait3A_190 = tpu.memref_slice %arg3[%multiple_of3A_181] : memref<67108864xf32, #tpu.memory_space<hbm>> -> memref<32768xf32, #tpu.memory_space<hbm>>
        %dma_wait3A_191 = arith.constant 0 : i32
        %dma_wait3A_192 = tpu.memref_slice %arg5[%dma_wait3A_182, %dma_wait3A_191] : memref<2x32768xf32, #tpu.memory_space<vmem>> -> memref<1x32768xf32, #tpu.memory_space<vmem>>
        %dma_wait3A_193 = tpu.memref_squeeze %dma_wait3A_192 : memref<1x32768xf32, #tpu.memory_space<vmem>> -> memref<32768xf32, #tpu.memory_space<vmem>>
        tpu.wait_dma2 semaphore(%dma_wait3A_189 : memref<!tpu.dma_semaphore, #tpu.memory_space<semaphore_mem>>) src(%dma_wait3A_193 : memref<32768xf32, #tpu.memory_space<vmem>>) dst(%dma_wait3A_190 : memref<32768xf32, #tpu.memory_space<hbm>>)
      } else {
      }
      %mul3A_101 = arith.constant 2048 : i32
      %mul3A_102 = arith.muli %add3A_82, %mul3A_101 : i32
      %add3A_103 = arith.addi %mul3A_10, %mul3A_102 : i32
      %mul3A_104 = arith.constant 16 : i32
      %mul3A_105 = arith.muli %add3A_103, %mul3A_104 : i32
      %multiple_of3A_106 = tpu.assume_multiple %mul3A_105, 2048 : i32
      %dma_start3A_107 = arith.constant 0 : i32
      %dma_start3A_108 = arith.constant 0 : i32
      %dma_start3A_109 = arith.constant 0 : i32
      %dma_start3A_110 = tpu.memref_slice %arg5[%dma_start3A_107, %dma_start3A_109] : memref<2x32768xf32, #tpu.memory_space<vmem>> -> memref<1x32768xf32, #tpu.memory_space<vmem>>
      %dma_start3A_111 = tpu.memref_squeeze %dma_start3A_110 : memref<1x32768xf32, #tpu.memory_space<vmem>> -> memref<32768xf32, #tpu.memory_space<vmem>>
      %dma_start3A_112 = tpu.memref_slice %arg3[%multiple_of3A_106] : memref<67108864xf32, #tpu.memory_space<hbm>> -> memref<32768xf32, #tpu.memory_space<hbm>>
      %dma_start3A_113 = tpu.memref_slice %arg7[%dma_start3A_108] : memref<2x!tpu.dma_semaphore, #tpu.memory_space<semaphore_mem>> -> memref<1x!tpu.dma_semaphore, #tpu.memory_space<semaphore_mem>>
      %dma_start3A_114 = tpu.memref_squeeze %dma_start3A_113 : memref<1x!tpu.dma_semaphore, #tpu.memory_space<semaphore_mem>> -> memref<!tpu.dma_semaphore, #tpu.memory_space<semaphore_mem>>
      %dma_start3A_115 = tpu.memref_slice %arg3[%multiple_of3A_106] : memref<67108864xf32, #tpu.memory_space<hbm>> -> memref<32768xf32, #tpu.memory_space<hbm>>
      %dma_start3A_116 = arith.constant 0 : i32
      %dma_start3A_117 = tpu.memref_slice %arg5[%dma_start3A_107, %dma_start3A_116] : memref<2x32768xf32, #tpu.memory_space<vmem>> -> memref<1x32768xf32, #tpu.memory_space<vmem>>
      %dma_start3A_118 = tpu.memref_squeeze %dma_start3A_117 : memref<1x32768xf32, #tpu.memory_space<vmem>> -> memref<32768xf32, #tpu.memory_space<vmem>>
      tpu.enqueue_dma source(%dma_start3A_118 : memref<32768xf32, #tpu.memory_space<vmem>>) target(%dma_start3A_115 : memref<32768xf32, #tpu.memory_space<hbm>>) target_semaphore(%dma_start3A_114 : memref<!tpu.dma_semaphore, #tpu.memory_space<semaphore_mem>>)
      %add3A_119 = arith.constant 2 : i32
      %add3A_120 = arith.addi %add3A_82, %add3A_119 : i32
      %lt3A = arith.constant 64 : i32
      %lt3A_121 = arith.cmpi slt, %add3A_120, %lt3A : i32
      %convert_element_type3A_122 = arith.extui %lt3A_121 : i1 to i32
      %cond3A_123 = arith.constant 0 : i32
      %cond3A_124 = arith.cmpi ne, %convert_element_type3A_122, %cond3A_123 : i32
      scf.if %cond3A_124 {
        %add3A_175 = arith.constant 2 : i32
        %add3A_176 = arith.addi %add3A_82, %add3A_175 : i32
        %mul3A_177 = arith.constant 2048 : i32
        %mul3A_178 = arith.muli %add3A_176, %mul3A_177 : i32
        %add3A_179 = arith.addi %mul3A_10, %mul3A_178 : i32
        %multiple_of3A_180 = tpu.assume_multiple %add3A_179, 2048 : i32
        %dma_start3A_181 = arith.constant 0 : i32
        %dma_start3A_182 = arith.constant 0 : i32
        %dma_start3A_183 = arith.constant 0 : i32
        %dma_start3A_184 = tpu.memref_slice %arg4[%dma_start3A_181, %dma_start3A_183] : memref<2x2048xf32, #tpu.memory_space<vmem>> -> memref<1x2048xf32, #tpu.memory_space<vmem>>
        %dma_start3A_185 = tpu.memref_squeeze %dma_start3A_184 : memref<1x2048xf32, #tpu.memory_space<vmem>> -> memref<2048xf32, #tpu.memory_space<vmem>>
        %dma_start3A_186 = tpu.memref_slice %arg2[%multiple_of3A_180] : memref<4194304xf32, #tpu.memory_space<hbm>> -> memref<2048xf32, #tpu.memory_space<hbm>>
        %dma_start3A_187 = tpu.memref_slice %arg6[%dma_start3A_182] : memref<2x!tpu.dma_semaphore, #tpu.memory_space<semaphore_mem>> -> memref<1x!tpu.dma_semaphore, #tpu.memory_space<semaphore_mem>>
        %dma_start3A_188 = tpu.memref_squeeze %dma_start3A_187 : memref<1x!tpu.dma_semaphore, #tpu.memory_space<semaphore_mem>> -> memref<!tpu.dma_semaphore, #tpu.memory_space<semaphore_mem>>
        %dma_start3A_189 = arith.constant 0 : i32
        %dma_start3A_190 = tpu.memref_slice %arg4[%dma_start3A_181, %dma_start3A_189] : memref<2x2048xf32, #tpu.memory_space<vmem>> -> memref<1x2048xf32, #tpu.memory_space<vmem>>
        %dma_start3A_191 = tpu.memref_squeeze %dma_start3A_190 : memref<1x2048xf32, #tpu.memory_space<vmem>> -> memref<2048xf32, #tpu.memory_space<vmem>>
        %dma_start3A_192 = tpu.memref_slice %arg2[%multiple_of3A_180] : memref<4194304xf32, #tpu.memory_space<hbm>> -> memref<2048xf32, #tpu.memory_space<hbm>>
        tpu.enqueue_dma source(%dma_start3A_192 : memref<2048xf32, #tpu.memory_space<hbm>>) target(%dma_start3A_191 : memref<2048xf32, #tpu.memory_space<vmem>>) target_semaphore(%dma_start3A_188 : memref<!tpu.dma_semaphore, #tpu.memory_space<semaphore_mem>>)
      } else {
      }
      %mul3A_125 = arith.constant 2 : i32
      %mul3A_126 = arith.muli %scan3A_78, %mul3A_125 : i32
      %add3A_127 = arith.constant 1 : i32
      %add3A_128 = arith.addi %mul3A_126, %add3A_127 : i32
      %mul3A_129 = arith.constant 2048 : i32
      %mul3A_130 = arith.muli %add3A_128, %mul3A_129 : i32
      %add3A_131 = arith.addi %mul3A_10, %mul3A_130 : i32
      %multiple_of3A_132 = tpu.assume_multiple %add3A_131, 2048 : i32
      %dma_wait3A_133 = arith.constant 1 : i32
      %dma_wait3A_134 = arith.constant 1 : i32
      %dma_wait3A_135 = arith.constant 0 : i32
      %dma_wait3A_136 = tpu.memref_slice %arg4[%dma_wait3A_133, %dma_wait3A_135] : memref<2x2048xf32, #tpu.memory_space<vmem>> -> memref<1x2048xf32, #tpu.memory_space<vmem>>
      %dma_wait3A_137 = tpu.memref_squeeze %dma_wait3A_136 : memref<1x2048xf32, #tpu.memory_space<vmem>> -> memref<2048xf32, #tpu.memory_space<vmem>>
      %dma_wait3A_138 = tpu.memref_slice %arg2[%multiple_of3A_132] : memref<4194304xf32, #tpu.memory_space<hbm>> -> memref<2048xf32, #tpu.memory_space<hbm>>
      %dma_wait3A_139 = tpu.memref_slice %arg6[%dma_wait3A_134] : memref<2x!tpu.dma_semaphore, #tpu.memory_space<semaphore_mem>> -> memref<1x!tpu.dma_semaphore, #tpu.memory_space<semaphore_mem>>
      %dma_wait3A_140 = tpu.memref_squeeze %dma_wait3A_139 : memref<1x!tpu.dma_semaphore, #tpu.memory_space<semaphore_mem>> -> memref<!tpu.dma_semaphore, #tpu.memory_space<semaphore_mem>>
      %dma_wait3A_141 = arith.constant 0 : i32
      %dma_wait3A_142 = tpu.memref_slice %arg4[%dma_wait3A_133, %dma_wait3A_141] : memref<2x2048xf32, #tpu.memory_space<vmem>> -> memref<1x2048xf32, #tpu.memory_space<vmem>>
      %dma_wait3A_143 = tpu.memref_squeeze %dma_wait3A_142 : memref<1x2048xf32, #tpu.memory_space<vmem>> -> memref<2048xf32, #tpu.memory_space<vmem>>
      %dma_wait3A_144 = tpu.memref_slice %arg2[%multiple_of3A_132] : memref<4194304xf32, #tpu.memory_space<hbm>> -> memref<2048xf32, #tpu.memory_space<hbm>>
      tpu.wait_dma2 semaphore(%dma_wait3A_140 : memref<!tpu.dma_semaphore, #tpu.memory_space<semaphore_mem>>) src(%dma_wait3A_144 : memref<2048xf32, #tpu.memory_space<hbm>>) dst(%dma_wait3A_143 : memref<2048xf32, #tpu.memory_space<vmem>>)
      %ge3A_145 = arith.constant 2 : i32
      %ge3A_146 = arith.cmpi sge, %add3A_128, %ge3A_145 : i32
      %convert_element_type3A_147 = arith.extui %ge3A_146 : i1 to i32
      %cond3A_148 = arith.constant 0 : i32
      %cond3A_149 = arith.cmpi ne, %convert_element_type3A_147, %cond3A_148 : i32
      scf.if %cond3A_149 {
        %sub3A = arith.constant 2 : i32
        %sub3A_175 = arith.subi %add3A_128, %sub3A : i32
        %mul3A_176 = arith.constant 2048 : i32
        %mul3A_177 = arith.muli %sub3A_175, %mul3A_176 : i32
        %add3A_178 = arith.addi %mul3A_10, %mul3A_177 : i32
        %mul3A_179 = arith.constant 16 : i32
        %mul3A_180 = arith.muli %add3A_178, %mul3A_179 : i32
        %multiple_of3A_181 = tpu.assume_multiple %mul3A_180, 2048 : i32
        %dma_wait3A_182 = arith.constant 1 : i32
        %dma_wait3A_183 = arith.constant 1 : i32
        %dma_wait3A_184 = arith.constant 0 : i32
        %dma_wait3A_185 = tpu.memref_slice %arg5[%dma_wait3A_182, %dma_wait3A_184] : memref<2x32768xf32, #tpu.memory_space<vmem>> -> memref<1x32768xf32, #tpu.memory_space<vmem>>
        %dma_wait3A_186 = tpu.memref_squeeze %dma_wait3A_185 : memref<1x32768xf32, #tpu.memory_space<vmem>> -> memref<32768xf32, #tpu.memory_space<vmem>>
        %dma_wait3A_187 = tpu.memref_slice %arg3[%multiple_of3A_181] : memref<67108864xf32, #tpu.memory_space<hbm>> -> memref<32768xf32, #tpu.memory_space<hbm>>
        %dma_wait3A_188 = tpu.memref_slice %arg7[%dma_wait3A_183] : memref<2x!tpu.dma_semaphore, #tpu.memory_space<semaphore_mem>> -> memref<1x!tpu.dma_semaphore, #tpu.memory_space<semaphore_mem>>
        %dma_wait3A_189 = tpu.memref_squeeze %dma_wait3A_188 : memref<1x!tpu.dma_semaphore, #tpu.memory_space<semaphore_mem>> -> memref<!tpu.dma_semaphore, #tpu.memory_space<semaphore_mem>>
        %dma_wait3A_190 = tpu.memref_slice %arg3[%multiple_of3A_181] : memref<67108864xf32, #tpu.memory_space<hbm>> -> memref<32768xf32, #tpu.memory_space<hbm>>
        %dma_wait3A_191 = arith.constant 0 : i32
        %dma_wait3A_192 = tpu.memref_slice %arg5[%dma_wait3A_182, %dma_wait3A_191] : memref<2x32768xf32, #tpu.memory_space<vmem>> -> memref<1x32768xf32, #tpu.memory_space<vmem>>
        %dma_wait3A_193 = tpu.memref_squeeze %dma_wait3A_192 : memref<1x32768xf32, #tpu.memory_space<vmem>> -> memref<32768xf32, #tpu.memory_space<vmem>>
        tpu.wait_dma2 semaphore(%dma_wait3A_189 : memref<!tpu.dma_semaphore, #tpu.memory_space<semaphore_mem>>) src(%dma_wait3A_193 : memref<32768xf32, #tpu.memory_space<vmem>>) dst(%dma_wait3A_190 : memref<32768xf32, #tpu.memory_space<hbm>>)
      } else {
      }
      %mul3A_150 = arith.constant 2048 : i32
      %mul3A_151 = arith.muli %add3A_128, %mul3A_150 : i32
      %add3A_152 = arith.addi %mul3A_10, %mul3A_151 : i32
      %mul3A_153 = arith.constant 16 : i32
      %mul3A_154 = arith.muli %add3A_152, %mul3A_153 : i32
      %multiple_of3A_155 = tpu.assume_multiple %mul3A_154, 2048 : i32
      %dma_start3A_156 = arith.constant 1 : i32
      %dma_start3A_157 = arith.constant 1 : i32
      %dma_start3A_158 = arith.constant 0 : i32
      %dma_start3A_159 = tpu.memref_slice %arg5[%dma_start3A_156, %dma_start3A_158] : memref<2x32768xf32, #tpu.memory_space<vmem>> -> memref<1x32768xf32, #tpu.memory_space<vmem>>
      %dma_start3A_160 = tpu.memref_squeeze %dma_start3A_159 : memref<1x32768xf32, #tpu.memory_space<vmem>> -> memref<32768xf32, #tpu.memory_space<vmem>>
      %dma_start3A_161 = tpu.memref_slice %arg3[%multiple_of3A_155] : memref<67108864xf32, #tpu.memory_space<hbm>> -> memref<32768xf32, #tpu.memory_space<hbm>>
      %dma_start3A_162 = tpu.memref_slice %arg7[%dma_start3A_157] : memref<2x!tpu.dma_semaphore, #tpu.memory_space<semaphore_mem>> -> memref<1x!tpu.dma_semaphore, #tpu.memory_space<semaphore_mem>>
      %dma_start3A_163 = tpu.memref_squeeze %dma_start3A_162 : memref<1x!tpu.dma_semaphore, #tpu.memory_space<semaphore_mem>> -> memref<!tpu.dma_semaphore, #tpu.memory_space<semaphore_mem>>
      %dma_start3A_164 = tpu.memref_slice %arg3[%multiple_of3A_155] : memref<67108864xf32, #tpu.memory_space<hbm>> -> memref<32768xf32, #tpu.memory_space<hbm>>
      %dma_start3A_165 = arith.constant 0 : i32
      %dma_start3A_166 = tpu.memref_slice %arg5[%dma_start3A_156, %dma_start3A_165] : memref<2x32768xf32, #tpu.memory_space<vmem>> -> memref<1x32768xf32, #tpu.memory_space<vmem>>
      %dma_start3A_167 = tpu.memref_squeeze %dma_start3A_166 : memref<1x32768xf32, #tpu.memory_space<vmem>> -> memref<32768xf32, #tpu.memory_space<vmem>>
      tpu.enqueue_dma source(%dma_start3A_167 : memref<32768xf32, #tpu.memory_space<vmem>>) target(%dma_start3A_164 : memref<32768xf32, #tpu.memory_space<hbm>>) target_semaphore(%dma_start3A_163 : memref<!tpu.dma_semaphore, #tpu.memory_space<semaphore_mem>>)
      %add3A_168 = arith.constant 2 : i32
      %add3A_169 = arith.addi %add3A_128, %add3A_168 : i32
      %lt3A_170 = arith.constant 64 : i32
      %lt3A_171 = arith.cmpi slt, %add3A_169, %lt3A_170 : i32
      %convert_element_type3A_172 = arith.extui %lt3A_171 : i1 to i32
      %cond3A_173 = arith.constant 0 : i32
      %cond3A_174 = arith.cmpi ne, %convert_element_type3A_172, %cond3A_173 : i32
      scf.if %cond3A_174 {
        %add3A_175 = arith.constant 2 : i32
        %add3A_176 = arith.addi %add3A_128, %add3A_175 : i32
        %mul3A_177 = arith.constant 2048 : i32
        %mul3A_178 = arith.muli %add3A_176, %mul3A_177 : i32
        %add3A_179 = arith.addi %mul3A_10, %mul3A_178 : i32
        %multiple_of3A_180 = tpu.assume_multiple %add3A_179, 2048 : i32
        %dma_start3A_181 = arith.constant 1 : i32
        %dma_start3A_182 = arith.constant 1 : i32
        %dma_start3A_183 = arith.constant 0 : i32
        %dma_start3A_184 = tpu.memref_slice %arg4[%dma_start3A_181, %dma_start3A_183] : memref<2x2048xf32, #tpu.memory_space<vmem>> -> memref<1x2048xf32, #tpu.memory_space<vmem>>
        %dma_start3A_185 = tpu.memref_squeeze %dma_start3A_184 : memref<1x2048xf32, #tpu.memory_space<vmem>> -> memref<2048xf32, #tpu.memory_space<vmem>>
        %dma_start3A_186 = tpu.memref_slice %arg2[%multiple_of3A_180] : memref<4194304xf32, #tpu.memory_space<hbm>> -> memref<2048xf32, #tpu.memory_space<hbm>>
        %dma_start3A_187 = tpu.memref_slice %arg6[%dma_start3A_182] : memref<2x!tpu.dma_semaphore, #tpu.memory_space<semaphore_mem>> -> memref<1x!tpu.dma_semaphore, #tpu.memory_space<semaphore_mem>>
        %dma_start3A_188 = tpu.memref_squeeze %dma_start3A_187 : memref<1x!tpu.dma_semaphore, #tpu.memory_space<semaphore_mem>> -> memref<!tpu.dma_semaphore, #tpu.memory_space<semaphore_mem>>
        %dma_start3A_189 = arith.constant 0 : i32
        %dma_start3A_190 = tpu.memref_slice %arg4[%dma_start3A_181, %dma_start3A_189] : memref<2x2048xf32, #tpu.memory_space<vmem>> -> memref<1x2048xf32, #tpu.memory_space<vmem>>
        %dma_start3A_191 = tpu.memref_squeeze %dma_start3A_190 : memref<1x2048xf32, #tpu.memory_space<vmem>> -> memref<2048xf32, #tpu.memory_space<vmem>>
        %dma_start3A_192 = tpu.memref_slice %arg2[%multiple_of3A_180] : memref<4194304xf32, #tpu.memory_space<hbm>> -> memref<2048xf32, #tpu.memory_space<hbm>>
        tpu.enqueue_dma source(%dma_start3A_192 : memref<2048xf32, #tpu.memory_space<hbm>>) target(%dma_start3A_191 : memref<2048xf32, #tpu.memory_space<vmem>>) target_semaphore(%dma_start3A_188 : memref<!tpu.dma_semaphore, #tpu.memory_space<semaphore_mem>>)
      } else {
      }
    }
    %scan3A_44 = arith.constant 32 : i32
    %add3A_45 = arith.constant 126976 : i32
    %add3A_46 = arith.addi %mul3A_10, %add3A_45 : i32
    %mul3A_47 = arith.constant 16 : i32
    %mul3A_48 = arith.muli %add3A_46, %mul3A_47 : i32
    %multiple_of3A_49 = tpu.assume_multiple %mul3A_48, 2048 : i32
    %dma_wait3A = arith.constant 0 : i32
    %dma_wait3A_50 = arith.constant 0 : i32
    %dma_wait3A_51 = arith.constant 0 : i32
    %dma_wait3A_52 = tpu.memref_slice %arg5[%dma_wait3A, %dma_wait3A_51] : memref<2x32768xf32, #tpu.memory_space<vmem>> -> memref<1x32768xf32, #tpu.memory_space<vmem>>
    %dma_wait3A_53 = tpu.memref_squeeze %dma_wait3A_52 : memref<1x32768xf32, #tpu.memory_space<vmem>> -> memref<32768xf32, #tpu.memory_space<vmem>>
    %dma_wait3A_54 = tpu.memref_slice %arg3[%multiple_of3A_49] : memref<67108864xf32, #tpu.memory_space<hbm>> -> memref<32768xf32, #tpu.memory_space<hbm>>
    %dma_wait3A_55 = tpu.memref_slice %arg7[%dma_wait3A_50] : memref<2x!tpu.dma_semaphore, #tpu.memory_space<semaphore_mem>> -> memref<1x!tpu.dma_semaphore, #tpu.memory_space<semaphore_mem>>
    %dma_wait3A_56 = tpu.memref_squeeze %dma_wait3A_55 : memref<1x!tpu.dma_semaphore, #tpu.memory_space<semaphore_mem>> -> memref<!tpu.dma_semaphore, #tpu.memory_space<semaphore_mem>>
    %dma_wait3A_57 = tpu.memref_slice %arg3[%multiple_of3A_49] : memref<67108864xf32, #tpu.memory_space<hbm>> -> memref<32768xf32, #tpu.memory_space<hbm>>
    %dma_wait3A_58 = arith.constant 0 : i32
    %dma_wait3A_59 = tpu.memref_slice %arg5[%dma_wait3A, %dma_wait3A_58] : memref<2x32768xf32, #tpu.memory_space<vmem>> -> memref<1x32768xf32, #tpu.memory_space<vmem>>
    %dma_wait3A_60 = tpu.memref_squeeze %dma_wait3A_59 : memref<1x32768xf32, #tpu.memory_space<vmem>> -> memref<32768xf32, #tpu.memory_space<vmem>>
    tpu.wait_dma2 semaphore(%dma_wait3A_56 : memref<!tpu.dma_semaphore, #tpu.memory_space<semaphore_mem>>) src(%dma_wait3A_60 : memref<32768xf32, #tpu.memory_space<vmem>>) dst(%dma_wait3A_57 : memref<32768xf32, #tpu.memory_space<hbm>>)
    %add3A_61 = arith.constant 129024 : i32
    %add3A_62 = arith.addi %mul3A_10, %add3A_61 : i32
    %mul3A_63 = arith.constant 16 : i32
    %mul3A_64 = arith.muli %add3A_62, %mul3A_63 : i32
    %multiple_of3A_65 = tpu.assume_multiple %mul3A_64, 2048 : i32
    %dma_wait3A_66 = arith.constant 1 : i32
    %dma_wait3A_67 = arith.constant 1 : i32
    %dma_wait3A_68 = arith.constant 0 : i32
    %dma_wait3A_69 = tpu.memref_slice %arg5[%dma_wait3A_66, %dma_wait3A_68] : memref<2x32768xf32, #tpu.memory_space<vmem>> -> memref<1x32768xf32, #tpu.memory_space<vmem>>
    %dma_wait3A_70 = tpu.memref_squeeze %dma_wait3A_69 : memref<1x32768xf32, #tpu.memory_space<vmem>> -> memref<32768xf32, #tpu.memory_space<vmem>>
    %dma_wait3A_71 = tpu.memref_slice %arg3[%multiple_of3A_65] : memref<67108864xf32, #tpu.memory_space<hbm>> -> memref<32768xf32, #tpu.memory_space<hbm>>
    %dma_wait3A_72 = tpu.memref_slice %arg7[%dma_wait3A_67] : memref<2x!tpu.dma_semaphore, #tpu.memory_space<semaphore_mem>> -> memref<1x!tpu.dma_semaphore, #tpu.memory_space<semaphore_mem>>
    %dma_wait3A_73 = tpu.memref_squeeze %dma_wait3A_72 : memref<1x!tpu.dma_semaphore, #tpu.memory_space<semaphore_mem>> -> memref<!tpu.dma_semaphore, #tpu.memory_space<semaphore_mem>>
    %dma_wait3A_74 = tpu.memref_slice %arg3[%multiple_of3A_65] : memref<67108864xf32, #tpu.memory_space<hbm>> -> memref<32768xf32, #tpu.memory_space<hbm>>
    %dma_wait3A_75 = arith.constant 0 : i32
    %dma_wait3A_76 = tpu.memref_slice %arg5[%dma_wait3A_66, %dma_wait3A_75] : memref<2x32768xf32, #tpu.memory_space<vmem>> -> memref<1x32768xf32, #tpu.memory_space<vmem>>
    %dma_wait3A_77 = tpu.memref_squeeze %dma_wait3A_76 : memref<1x32768xf32, #tpu.memory_space<vmem>> -> memref<32768xf32, #tpu.memory_space<vmem>>
    tpu.wait_dma2 semaphore(%dma_wait3A_73 : memref<!tpu.dma_semaphore, #tpu.memory_space<semaphore_mem>>) src(%dma_wait3A_77 : memref<32768xf32, #tpu.memory_space<vmem>>) dst(%dma_wait3A_74 : memref<32768xf32, #tpu.memory_space<hbm>>)
    return
  }
}

</mosaic_0001>

<sc_bundles>
// kernel: kernel.3.cloned.1.call-start
scs
__scs_entry_jumppad:
0x0: {  	(pc) =	sbr.rel $0x88, $3  }
0x1: {  	(tag) =	ssettag $0x0;
	lr =	simm.s32 $0x1  }
0x2: {  	[smem:$0x3FA0] =	sst lr;
	_ =	strace $0xD0000000  }
0x3: {  	_ = 	snop  }
0x4: {  	_ = 	snop  }
0x5: {  	_ = 	snop  }
0x6: {  	_ = 	snop  }
0x7: {  	_ = 	snop  }
__scs_overlays_trampoline_lowered:
0x8: {  	[smem:$0x3FAF] =	sst s0  }
0x9: {  	[smem:$0x3FB0] =	sst s1  }
0xa: {  	[smem:$0x3FB1] =	sst s2  }
0xb: {  	[smem:$0x3FB2] =	sst s3  }
0xc: {  	[smem:$0x3FB3] =	sst s4  }
0xd: {  	[smem:$0x3FB4] =	sst s5  }
0xe: {  	[smem:$0x3FB5] =	sst s6  }
0xf: {  	[smem:$0x3FB6] =	sst s7  }
0x10: {  	[smem:$0x3FB7] =	sst s8  }
0x11: {  	[smem:$0x3FB8] =	sst s9;
	s0 =	simm.s32 @!p0 $0x0  }
0x12: {  	s1 =	sld [smem:$0x3F9E];
	s0 =	simm.s32 @p0 $0x1  }
0x13: {  	[smem:$0x3FB9] =	sst s0;
	s0 =	simm.s32 @!p1 $0x0  }
0x14: {  	s2 =	sld [smem:$0x3F9D];
	s0 =	simm.s32 @p1 $0x1  }
0x15: {  	[smem:$0x3FBA] =	sst s0;
	s0 =	simm.s32 @!p2 $0x0  }
0x16: {  	s3 =	sld [smem:$0x3FDB];
	s0 =	simm.s32 @p2 $0x1  }
0x17: {  	s4 =	simm.s32 $0x1BF5;
	[smem:$0x3FBC] =	sst s0  }
0x18: {  	s0 =	sld [smem:$0x3F9F];
	_ =	swait.ge [sflag:s4], $0x0  }
0x19: {  	s7 =	sld [smem:$0x3FA0]  }
0x1a: {  	s8 =	sadd.s32 $0xFFFFE003, lr  }
0x1b: {  	s9 =	sadd.s32 $0xFFFFFEF7, lr;
	s5 =	simm.s32 $0xFFFFFFFF;
	p2 =	slt.u32 s8, $0xFFFFF086  }
0x1c: {  	p1 =	slt.u32 s9, $0xF7A;
	s5 =	simm.s32 @!p2 $0x0  }
0x1d: {  	s5 =	simm.s32 @p1 $0x1;
	p0 =	seq.s32 s7, s2  }
0x1e: {  	s7 =	smul.u32 @!p0 $0xF7A, s2;
	p2 =	seq.s32 @!p0 s5, $0x0  }
0x1f: {  	s9 =	smul.u32 $0xF7A, s1;
	s8 =	simm.s32 @!p0 $0x1BF5;
	p2 =	por !p2, p0  }
0x20: {  	[sflag:s8] =	ssyncset.s32 @!p0 $0xFFFFF086;
	s6 =	sadd.s32 @!p0 s3, s7;
	s7 =	simm.s32 @!p0 $0x108  }
0x21: {  	s3 =	sadd.s32 s3, s9;
	s6 =	sadd.s32 @!p0 $0x88, s6;
	s7 =	simm.s32 @p2 $0x1082  }
0x22: {  	[simem:s7], [sflag:s8] =	dma.local @!p0 [hbm:s6], $0xF7A  }
0x23: {  	s9 =	sor.u32 $0xD0000000, s2;
	s6 =	simm.s32 $0x108;
	_ =	swait.ge @!p0 [sflag:s8], $0x0  }
0x24: {  	s3 =	sadd.s32 $0x88, s3;
	s6 =	simm.s32 @!p1 $0x1082;
	[sflag:s4] =	ssyncset.s32 $0xFFFFF086  }
0x25: {  	[simem:s6], [sflag:s4] =	dma.local [hbm:s3], $0xF7A  }
0x26: {  	[smem:$0x3FA0] =	sst s1;
	(tag) =	ssettag s2;
	_ =	strace s9  }
0x27: {  	s1 =	sld [smem:$0x3FB0]  }
0x28: {  	s2 =	sld [smem:$0x3FB1]  }
0x29: {  	s4 =	sld [smem:$0x3FB3]  }
0x2a: {  	p0 =	seq.s32 s5, $0x0;
	s5 =	sld [smem:$0x3FB4]  }
0x2b: {  	s6 =	sld [smem:$0x3FB5]  }
0x2c: {  	s7 =	sld [smem:$0x3FB6]  }
0x2d: {  	s3 =	simm.s32 $0x108;
	s8 =	sld [smem:$0x3FB7]  }
0x2e: {  	s3 =	simm.s32 @!p0 $0x1082;
	s9 =	sld [smem:$0x3FB8]  }
0x2f: {  	lr =	sadd.s32 s0, s3;
	s0 =	sld [smem:$0x3FAF]  }
0x30: {  	s3 =	sld [smem:$0x3FB2]  }
0x31: {  	[smem:$0x3FBB] =	sst s10  }
0x32: {  	s10 =	sld [smem:$0x3FB9];
	_ =	sdelay $0x3  }
0x33: {  	p0 =	seq.s32 s10, $0x1;
	s10 =	sld [smem:$0x3FBB];
	_ =	sdelay $0x3  }
0x34: {  	[smem:$0x3FBB] =	sst s10  }
0x35: {  	s10 =	sld [smem:$0x3FBA];
	_ =	sdelay $0x3  }
0x36: {  	p1 =	seq.s32 s10, $0x1;
	s10 =	sld [smem:$0x3FBB];
	_ =	sdelay $0x3  }
0x37: {  	[smem:$0x3FBB] =	sst s10  }
0x38: {  	s10 =	sld [smem:$0x3FBC]  }
0x39: {  	_ = 	snop;
	(pc) =	sbr.ind lr, $3  }
0x3a: {  	_ = 	snop  }
0x3b: {  	_ = 	snop  }
0x3c: {  	p2 =	seq.s32 s10, $0x1;
	s10 =	sld [smem:$0x3FBB]  }
0x3d: {  	_ =	shalt  }
0x3e: {  	_ =	shalt  }
0x3f: {  	_ =	shalt  }
0x40: {  	_ =	shalt  }
0x41: {  	_ =	shalt  }
0x42: {  	_ =	shalt  }
0x43: {  	_ =	shalt  }
0x44: {  	_ =	shalt  }
0x45: {  	_ =	shalt  }
0x46: {  	_ =	shalt  }
0x47: {  	_ =	shalt  }
0x48: {  	_ =	shalt  }
0x49: {  	_ =	shalt  }
0x4a: {  	_ =	shalt  }
0x4b: {  	_ =	shalt  }
0x4c: {  	_ =	shalt  }
0x4d: {  	_ =	shalt  }
0x4e: {  	_ =	shalt  }
0x4f: {  	_ =	shalt  }
0x50: {  	_ =	shalt  }
0x51: {  	_ =	shalt  }
0x52: {  	_ =	shalt  }
0x53: {  	_ =	shalt  }
0x54: {  	_ =	shalt  }
0x55: {  	_ =	shalt  }
0x56: {  	_ =	shalt  }
0x57: {  	_ =	shalt  }
0x58: {  	_ =	shalt  }
0x59: {  	_ =	shalt  }
0x5a: {  	_ =	shalt  }
0x5b: {  	_ =	shalt  }
0x5c: {  	_ =	shalt  }
0x5d: {  	_ =	shalt  }
0x5e: {  	_ =	shalt  }
0x5f: {  	_ =	shalt  }
0x60: {  	_ =	shalt  }
0x61: {  	_ =	shalt  }
0x62: {  	_ =	shalt  }
0x63: {  	_ =	shalt  }
0x64: {  	_ =	shalt  }
0x65: {  	_ =	shalt  }
0x66: {  	_ =	shalt  }
0x67: {  	_ =	shalt  }
0x68: {  	_ =	shalt  }
0x69: {  	_ =	shalt  }
0x6a: {  	_ =	shalt  }
0x6b: {  	_ =	shalt  }
0x6c: {  	_ =	shalt  }
0x6d: {  	_ =	shalt  }
0x6e: {  	_ =	shalt  }
0x6f: {  	_ =	shalt  }
0x70: {  	_ =	shalt  }
0x71: {  	_ =	shalt  }
0x72: {  	_ =	shalt  }
0x73: {  	_ =	shalt  }
0x74: {  	_ =	shalt  }
0x75: {  	_ =	shalt  }
0x76: {  	_ =	shalt  }
0x77: {  	_ =	shalt  }
0x78: {  	_ =	shalt  }
0x79: {  	_ =	shalt  }
0x7a: {  	_ =	shalt  }
0x7b: {  	_ =	shalt  }
0x7c: {  	_ =	shalt  }
0x7d: {  	_ =	shalt  }
0x7e: {  	_ =	shalt  }
0x7f: {  	_ =	shalt  }
0x80: {  	_ =	shalt  }
0x81: {  	_ =	shalt  }
0x82: {  	_ =	shalt  }
0x83: {  	_ =	shalt  }
0x84: {  	_ =	shalt  }
0x85: {  	_ =	shalt  }
0x86: {  	_ =	shalt  }
0x87: {  	_ =	shalt  }
.Lfunc_end0:
.L_simem_size_0:
called_computation_lowered:
.L_overlay_start_0:
0x88: {  	s2 =	sld [smem:$0x3FD9]  }
0x89: {  	s3 =	sld [smem:$0x3FFE];
	_ =	sdelay $0x1  }
0x8a: {  	s1 =	srdreg.scid  }
0x8b: {  	s0 =	sand.u32 $0x1, s1  }
0x8c: {  	s17 =	sshll.u32 s0, $0xA;
	s2 =	sadd.s32 s3, s2  }
0x8d: {  	s2 =	sadd.s32 s2, s17  }
0x8e: {  	[smem:$0x3FC7] =	sst s2  }
0x8f: {  	_ = 	snop  }
0x90: {  	s2 =	sld [smem:$0x3FD0];
	(tm) =	ssettm $0x1  }
0x91: {  	s18 =	sld [smem:$0x3FFB];
	_ =	sdelay $0x3  }
0x92: {  	_ =	strace s18  }
0x93: {  	s3 =	sld [smem:$0x3FFC];
	_ =	sdelay $0x3  }
0x94: {  	_ =	strace s3  }
0x95: {  	s3 =	sld [smem:$0x3FFD];
	_ =	sdelay $0x3  }
0x96: {  	_ =	strace s3  }
0x97: {  	_ =	strace $0x8FFFFFFF  }
0x98: {  	s19 =	sld [smem:$0x3FDB];
	_ =	sdelay $0x1  }
0x99: {  	s4 =	simm.s32 $_scs_section_size  }
0x9a: {  	s5 =	simm.s32 $_size__tile_overlayer_lowered;
	s6 =	simm.s32 $_tile_overlayer_lowered  }
0x9b: {  	s22 =	simm.s32 $0x1BFF;
	s21 =	sshll.u32 s6, $0x1;
	s3 =	sadd.s32 s4, s19  }
0x9c: {  	s7 =	simm.s32 $0x0;
	s20 =	sshll.u32 s5, $0x1;
	s5 =	sadd.s32 s21, s3  }
0x9d: {  	[timem:s7], [sflag:s22] =	dma.local [hbm:s5], s20  }
0x9e: {  	_ =	swait.ge [sflag:s22], s20  }
0x9f: {  	s4 =	ssub.s32 $0x0, s20;
	[sflag:s22] =	ssyncset.done $0x0  }
0xa0: {  	[sflag:s22] =	ssyncadd.s32 s4;
	_ =	sdelay $0x1  }
0xa1: {  	s23 =	simm.s32 $0x1B8B  }
0xa2: {  	_ =	swait.ge [sflag:s23], $0x1  }
0xa3: {  	[sflag:s23] =	ssyncset.done $0x0  }
0xa4: {  	s25 =	simm.s32 $0x1B8E;
	s24 =	sld [smem:$0x3FFE];
	[sflag:s23] =	ssyncadd.s32 $0xFFFFFFFF  }
0xa5: {  	s26 =	simm.s32 $execute0_lowered;
	[smem:$0x3FD2] =	sst s25  }
0xa6: {  	s5 =	sshll.u32 s26, $0x1;
	_ =	strace $0x80000046;
	[dreg:$0x1] =	wrdreg $0xFFFFFFFF  }
0xa7: {  	s28 =	simm.s32 $_size_execute0_lowered;
	s3 =	sadd.s32 s3, s5;
	[dreg:$0x0] =	wrdreg $0x0  }
0xa8: {  	s5 =	sshll.u32 s28, $0x1;
	[dreg:$0x2] =	wrdreg s3  }
0xa9: {  	[dreg:$0x3] =	wrdreg s5  }
0xaa: {  	[dreg:$0x4] =	wrdreg $0xC0  }
0xab: {  	_ =	task [dreg:s7], $0x5FFFF  }
0xac: {  	[dreg:$0x1] =	wrdreg $0xFFFFFFFF  }
0xad: {  	[dreg:$0x0] =	wrdreg $0x60  }
0xae: {  	[dreg:$0x2] =	wrdreg s2  }
0xaf: {  	[dreg:$0x3] =	wrdreg s24  }
0xb0: {  	[dreg:$0x4] =	wrdreg $0x9  }
0xb1: {  	_ =	task.clear_ibuf [dreg:s7], $0x5FFFF;
	_ =	strace $0x90000046  }
0xb2: {  	s29 =	simm.s32 $0x9;
	_ =	strace $0x80000048  }
0xb3: {  	_ =	swait.ge [sflag:s29], $0x1  }
0xb4: {  	[sflag:s29] =	ssyncadd.s32 $0xFFFFFFFF  }
0xb5: {  	_ =	strace $0x90000048  }
0xb6: {  	_ =	sfence  }
0xb7: {  	s30 =	sld [smem:$0x0];
	_ =	sdelay $0x2  }
0xb8: {  	s31 =	sshll.u32 s1, $0xD;
	s1 =	sshrl.u32 s1, $0x2  }
0xb9: {  	s3 =	sand.u32 $0x4000, s31;
	s1 =	sadd.s32 s1, s30  }
0xba: {  	s0 =	sor.u32 s3, s0;
	s1 =	sshll.u32 s1, $0x11  }
0xbb: {  	s0 =	sor.u32 s1, s0  }
0xbc: {  	s0 =	sadd.s32 $0x8F2B, s0  }
0xbd: {  	[sflag:s0] =	ssyncadd.remote.s32 $0x1  }
0xbe: {  	_ =	sfence.sel $0xFFFF  }
0xbf: {  	[dreg:$0x0] =	wrdreg $0xFFFFFFFF;
	(pc) =	sbr.abs _section_cstart, $3  }
0xc0: {  	[dreg:$0x1] =	wrdreg $0xFFFFFFFF  }
0xc1: {  	_ =	task.clear_ibuf [dreg:s7], $0x2FFFF;
	_ =	strace $0x9FFFFFFF  }
0xc2: {  	(tm) =	ssettm $0x7FFFFFFF  }
0xc3: {  	_ =	shalt  }
tec
execute0_lowered:
.L_overlay_start_1:
0x0: {  	(tag) =	ssettag $0x1  }
0x1: {  	s1 =	rddreg [dreg:$0x0];
	s2 =	srdreg.scid  }
0x2: {  	s0 =	rddreg [dreg:$0x1];
	s2 =	sand.u32 $0x1, s2  }
0x3: {  	s3 =	simm.s32 $0x0;
	s4 =	stileid.u32;
	s11 =	ssub.s32 $0x2, s2  }
0x4: {  	s4 =	sshll.u32 s4, $0x12;
	s5 =	sshll.u32 s2, $0x11;
	s6 =	sshrl.u32 s11, $0x1  }
0x5: {  	s4 =	sor.u32 s5, s4;
	s5 =	sadd.s32 $0x400, s0;
	s0 =	ssub.s32 s11, s6  }
0x6: {  	[smem:$0x7FF] =	sst s3;
	s12 =	sshrl.u32 s4, $0x3;
	s0 =	smax.u32 s0, $0x1  }
0x7: {  	_ =	strace $0x80000047;
	s7 =	sadd.s32 s1, s12;
	[dreg:$0x5] =	wrdreg s0  }
0x8: {  	s14 =	sadd.s32 $0x100, s7;
	[dreg:$0x3] =	wrdreg s7  }
0x9: {  	s15 =	sadd.s32 $0x10, s7;
	[dreg:$0x4] =	wrdreg s14  }
0xa: {  	s16 =	sadd.s32 $0x20, s7;
	[dreg:$0x6] =	wrdreg s15  }
0xb: {  	s17 =	sadd.s32 $0x30, s7;
	[dreg:$0x7] =	wrdreg s16  }
0xc: {  	s18 =	sadd.s32 $0x40, s7;
	[dreg:$0x8] =	wrdreg s17  }
0xd: {  	s19 =	sadd.s32 $0x50, s7;
	[dreg:$0x9] =	wrdreg s18  }
0xe: {  	s20 =	sadd.s32 $0x60, s7;
	[dreg:$0xa] =	wrdreg s19  }
0xf: {  	s21 =	sadd.s32 $0x70, s7;
	[dreg:$0xb] =	wrdreg s20  }
0x10: {  	s22 =	sadd.s32 $0x80, s7;
	[dreg:$0xc] =	wrdreg s21  }
0x11: {  	s23 =	sadd.s32 $0x90, s7;
	[dreg:$0xd] =	wrdreg s22  }
0x12: {  	s24 =	sadd.s32 $0xA0, s7;
	[dreg:$0xe] =	wrdreg s23  }
0x13: {  	s25 =	sadd.s32 $0xB0, s7;
	[dreg:$0xf] =	wrdreg s24  }
0x14: {  	s26 =	sadd.s32 $0xC0, s7;
	[dreg:$0x10] =	wrdreg s25  }
0x15: {  	s2 =	sadd.s32 $0xD0, s7;
	[dreg:$0x11] =	wrdreg s26  }
0x16: {  	s6 =	sadd.s32 $0xE0, s7;
	[dreg:$0x12] =	wrdreg s2  }
0x17: {  	s11 =	sadd.s32 $0xF0, s7;
	[dreg:$0x13] =	wrdreg s6  }
0x18: {  	s13 =	sshll.u32 s4, $0x1;
	s12 =	sadd.s32 $0x110, s7;
	[dreg:$0x14] =	wrdreg s11  }
0x19: {  	s8 =	sadd.s32 s5, s13;
	s13 =	sadd.s32 $0x120, s7;
	[dreg:$0x15] =	wrdreg s12  }
0x1a: {  	s28 =	simm.s32 $0x880;
	[dreg:$0x16] =	wrdreg s13;
	s14 =	sadd.s32 $0x130, s7  }
0x1b: {  	s29 =	simm.s32 $0x980;
	s15 =	sadd.s32 $0x140, s7;
	[dreg:$0x17] =	wrdreg s14  }
0x1c: {  	s30 =	simm.s32 $0xA80;
	s16 =	sadd.s32 $0x150, s7;
	[dreg:$0x18] =	wrdreg s15  }
0x1d: {  	s31 =	simm.s32 $0xB80;
	s17 =	sadd.s32 $0x160, s7;
	[dreg:$0x19] =	wrdreg s16  }
0x1e: {  	s9 =	sor.u32 $0x1000, s4;
	s18 =	sadd.s32 $0x170, s7;
	[dreg:$0x1a] =	wrdreg s17  }
0x1f: {  	s10 =	sor.u32 $0x1800, s4;
	s19 =	sadd.s32 $0x180, s7;
	[dreg:$0x1b] =	wrdreg s18  }
0x20: {  	s0 =	simm.s32 $0xC80;
	s20 =	sadd.s32 $0x190, s7;
	[dreg:$0x1c] =	wrdreg s19  }
0x21: {  	s21 =	sadd.s32 $0x1A0, s7;
	s22 =	sadd.s32 $0x1B0, s7;
	[dreg:$0x1d] =	wrdreg s20  }
0x22: {  	s23 =	sadd.s32 $0x1C0, s7;
	s24 =	sadd.s32 $0x1D0, s7;
	[dreg:$0x1e] =	wrdreg s21  }
0x23: {  	s25 =	sadd.s32 $0x1E0, s7;
	s26 =	sadd.s32 $0x1F0, s7;
	[dreg:$0x1f] =	wrdreg s22  }
0x24: {  	s2 =	simm.s32 $0xD80;
	s7 =	simm.s32 $0xE80;
	[smem:$0x7FA] =	sst s23  }
.Ltmp0:
0x25: {  	s11 =	simm.s32 $0xF80;
	[smem:$0x7FB] =	sst s24;
	(pc) =	sbr.rel .LBB2_1-.Ltmp0, $4  }
0x26: {  	s12 =	simm.s32 $0x1;
	s13 =	simm.s32 $0x2;
	[smem:$0x7FC] =	sst s25  }
0x27: {  	[smem:$0x7FD] =	sst s26;
	s20 =	simm.s32 $0x180;
	s21 =	simm.s32 $0x280  }
0x28: {  	s22 =	simm.s32 $0x380;
	s23 =	simm.s32 $0x480;
	s24 =	simm.s32 $0x580  }
0x29: {  	v0 =	vimm.f32 $0.0e+00;
	s25 =	simm.s32 $0x680;
	s26 =	simm.s32 $0x780;
	s15 =	simm.s32 $0x0  }
.LBB2_10:
0x2a: {  	s6 =	simm.s32 $0x3  }
0x2b: {  	_ =	swait.ge [sflag:s6], $0x8000  }
0x2c: {  	[sflag:s6] =	ssyncset.done $0x0  }
0x2d: {  	s14 =	simm.s32 $0x4;
	[sflag:s6] =	ssyncadd.s32 $0xFFFF8000  }
0x2e: {  	_ =	swait.ge [sflag:s14], $0x8000  }
0x2f: {  	s15 =	sld [smem:$0x7F9];
	_ =	sdelay $0x2  }
0x30: {  	s19 =	rddreg [dreg:$0x5];
	s15 =	sadd.s32 $0x1, s15  }
0x31: {  	p0 =	sne.s32 s15, s19  }
.Ltmp1:
0x32: {  	_ = 	snop;
	(pc) =	sbr.rel @!p0 .LBB2_11-.Ltmp1, $3  }
0x33: {  	_ =	sdelay $0x1  }
0x34: {  	[sflag:s14] =	ssyncset.done $0x0  }
0x35: {  	[sflag:s14] =	ssyncadd.s32 $0xFFFF8000  }
.LBB2_1:
0x36: {  	s6 =	sand.u32 $0x70, s3;
	s14 =	sand.u32 $0xF00, s3  }
0x37: {  	s17 =	sor.u32 s6, s14  }
0x38: {  	[tilespmem:s17+$0x10080] =	vst v0  }
0x39: {  	[tilespmem:s17+$0xC000] =	vst v0  }
0x3a: {  	[tilespmem:s17+$0xD000] =	vst v0  }
0x3b: {  	[tilespmem:s17+$0xE000] =	vst v0  }
0x3c: {  	[tilespmem:s17+$0xF000] =	vst v0  }
0x3d: {  	[tilespmem:s17+$0x10000] =	vst v0  }
0x3e: {  	[tilespmem:s17+$0xC080] =	vst v0  }
0x3f: {  	[smem:$0x7F9] =	sst s15;
	s19 =	simm.s32 $0x10;
	s18 =	simm.s32 $0x20;
	[tilespmem:s17+$0xD080] =	vst v0  }
0x40: {  	s6 =	sand.u32 $0x70, s19;
	s15 =	sand.u32 $0xF00, s18;
	s14 =	simm.s32 $0x20;
	[tilespmem:s17+$0xE080] =	vst v0  }
.LBB2_2:
0x41: {  	p0 =	sne.s32 s14, $0x7F0;
	[tilespmem:s17+$0xF080] =	vst v0;
	s17 =	sor.u32 s6, s15  }
0x42: {  	[tilespmem:s17+$0x10080] =	vst v0  }
0x43: {  	[tilespmem:s17+$0xC000] =	vst v0  }
0x44: {  	[tilespmem:s17+$0xD000] =	vst v0  }
0x45: {  	[tilespmem:s17+$0xE000] =	vst v0  }
.Ltmp2:
0x46: {  	[tilespmem:s17+$0xF000] =	vst v0;
	(pc) =	sbr.rel @p0 .LBB2_2-.Ltmp2, $4  }
0x47: {  	[tilespmem:s17+$0x10000] =	vst v0  }
0x48: {  	[tilespmem:s17+$0xC080] =	vst v0  }
0x49: {  	s18 =	sadd.s32 $0x20, s18;
	[tilespmem:s17+$0xD080] =	vst v0  }
0x4a: {  	s6 =	sand.u32 $0x70, s14;
	s14 =	sadd.s32 $0x10, s14;
	s15 =	sand.u32 $0xF00, s18;
	[tilespmem:s17+$0xE080] =	vst v0  }
0x4b: {  	s6 =	sor.u32 s6, s15;
	[tilespmem:s17+$0xF080] =	vst v0  }
0x4c: {  	[tilespmem:s6+$0x10080] =	vst v0  }
0x4d: {  	[tilespmem:s6+$0xC000] =	vst v0  }
0x4e: {  	[tilespmem:s6+$0xD000] =	vst v0  }
0x4f: {  	[tilespmem:s6+$0xE000] =	vst v0  }
0x50: {  	[tilespmem:s6+$0xF000] =	vst v0  }
0x51: {  	[tilespmem:s6+$0x10000] =	vst v0  }
0x52: {  	[tilespmem:s6+$0xC080] =	vst v0  }
0x53: {  	[tilespmem:s6+$0xD080] =	vst v0  }
0x54: {  	s15 =	rddreg [dreg:$0x3];
	[tilespmem:s6+$0xE080] =	vst v0  }
0x55: {  	s17 =	simm.s32 $0x0;
	s16 =	rddreg [dreg:$0x6];
	[tilespmem:s6+$0xF080] =	vst v0  }
0x56: {  	[tilespmem:s17], [sflag:$0x1] =	stream.linear.gather [hbm4b:s15+s17], $0x80, $0x38;
	[tilespmem:$0x11000] =	vst v63  }
0x57: {  	s14 =	simm.s32 $0x100;
	s18 =	rddreg [dreg:$0x7]  }
0x58: {  	[tilespmem:s14], [sflag:$0x1] =	stream.linear.gather [hbm4b:s16+s17], $0x80, $0x38;
	[tilespmem:$0x11000] =	vst v63  }
0x59: {  	s19 =	simm.s32 $0x200;
	s15 =	rddreg [dreg:$0x8]  }
0x5a: {  	[tilespmem:s19], [sflag:$0x1] =	stream.linear.gather [hbm4b:s18+s17], $0x80, $0x38;
	[tilespmem:$0x11000] =	vst v63  }
0x5b: {  	s16 =	simm.s32 $0x300;
	s14 =	rddreg [dreg:$0x15]  }
0x5c: {  	[tilespmem:s16], [sflag:$0x1] =	stream.linear.gather [hbm4b:s15+s17], $0x80, $0x38;
	[tilespmem:$0x11000] =	vst v63  }
0x5d: {  	s18 =	rddreg [dreg:$0x9];
	s19 =	simm.s32 $0x400  }
0x5e: {  	[tilespmem:s19], [sflag:$0x1] =	stream.linear.gather [hbm4b:s18+s17], $0x80, $0x38;
	[tilespmem:$0x11000] =	vst v63  }
0x5f: {  	s15 =	rddreg [dreg:$0xa];
	s16 =	simm.s32 $0x500  }
0x60: {  	[tilespmem:s16], [sflag:$0x1] =	stream.linear.gather [hbm4b:s15+s17], $0x80, $0x38;
	[tilespmem:$0x11000] =	vst v63  }
0x61: {  	s18 =	rddreg [dreg:$0xb];
	s19 =	simm.s32 $0x600  }
0x62: {  	[tilespmem:s19], [sflag:$0x1] =	stream.linear.gather [hbm4b:s18+s17], $0x80, $0x38;
	[tilespmem:$0x11000] =	vst v63  }
0x63: {  	s15 =	rddreg [dreg:$0xc];
	s16 =	simm.s32 $0x700  }
0x64: {  	[tilespmem:s16], [sflag:$0x1] =	stream.linear.gather [hbm4b:s15+s17], $0x80, $0x38;
	[tilespmem:$0x11000] =	vst v63  }
0x65: {  	s18 =	rddreg [dreg:$0xd];
	s19 =	simm.s32 $0x800  }
0x66: {  	[tilespmem:s19], [sflag:$0x1] =	stream.linear.gather [hbm4b:s18+s17], $0x80, $0x38;
	[tilespmem:$0x11000] =	vst v63  }
0x67: {  	s15 =	rddreg [dreg:$0xe];
	s16 =	simm.s32 $0x900  }
0x68: {  	[tilespmem:s16], [sflag:$0x1] =	stream.linear.gather [hbm4b:s15+s17], $0x80, $0x38;
	[tilespmem:$0x11000] =	vst v63  }
0x69: {  	s18 =	rddreg [dreg:$0xf];
	s19 =	simm.s32 $0xA00  }
0x6a: {  	[tilespmem:s19], [sflag:$0x1] =	stream.linear.gather [hbm4b:s18+s17], $0x80, $0x38;
	[tilespmem:$0x11000] =	vst v63  }
0x6b: {  	s15 =	rddreg [dreg:$0x10];
	s16 =	simm.s32 $0xB00  }
0x6c: {  	[tilespmem:s16], [sflag:$0x1] =	stream.linear.gather [hbm4b:s15+s17], $0x80, $0x38;
	[tilespmem:$0x11000] =	vst v63  }
0x6d: {  	s18 =	rddreg [dreg:$0x11];
	s19 =	simm.s32 $0xC00  }
0x6e: {  	[tilespmem:s19], [sflag:$0x1] =	stream.linear.gather [hbm4b:s18+s17], $0x80, $0x38;
	[tilespmem:$0x11000] =	vst v63  }
0x6f: {  	s15 =	rddreg [dreg:$0x12];
	s16 =	simm.s32 $0xD00  }
0x70: {  	[tilespmem:s16], [sflag:$0x1] =	stream.linear.gather [hbm4b:s15+s17], $0x80, $0x38;
	[tilespmem:$0x11000] =	vst v63  }
0x71: {  	s18 =	rddreg [dreg:$0x13];
	s19 =	simm.s32 $0xE00  }
0x72: {  	[tilespmem:s19], [sflag:$0x1] =	stream.linear.gather [hbm4b:s18+s17], $0x80, $0x38;
	[tilespmem:$0x11000] =	vst v63  }
0x73: {  	s15 =	rddreg [dreg:$0x14];
	s16 =	simm.s32 $0xF00  }
0x74: {  	[tilespmem:s16], [sflag:$0x1] =	stream.linear.gather [hbm4b:s15+s17], $0x80, $0x38;
	[tilespmem:$0x11000] =	vst v63  }
0x75: {  	s18 =	rddreg [dreg:$0x4];
	s19 =	simm.s32 $0x80  }
0x76: {  	[tilespmem:s19], [sflag:$0x2] =	stream.linear.gather [hbm4b:s18+s17], $0x80, $0x38;
	[tilespmem:$0x11000] =	vst v63  }
0x77: {  	s15 =	rddreg [dreg:$0x16]  }
0x78: {  	[tilespmem:s20], [sflag:$0x2] =	stream.linear.gather [hbm4b:s14+s17], $0x80, $0x38;
	[tilespmem:$0x11000] =	vst v63  }
0x79: {  	s16 =	rddreg [dreg:$0x17]  }
0x7a: {  	[tilespmem:s21], [sflag:$0x2] =	stream.linear.gather [hbm4b:s15+s17], $0x80, $0x38;
	[tilespmem:$0x11000] =	vst v63  }
0x7b: {  	s18 =	rddreg [dreg:$0x18]  }
0x7c: {  	[tilespmem:s22], [sflag:$0x2] =	stream.linear.gather [hbm4b:s16+s17], $0x80, $0x38;
	[tilespmem:$0x11000] =	vst v63  }
0x7d: {  	s19 =	rddreg [dreg:$0x19]  }
0x7e: {  	[tilespmem:s23], [sflag:$0x2] =	stream.linear.gather [hbm4b:s18+s17], $0x80, $0x38;
	[tilespmem:$0x11000] =	vst v63  }
0x7f: {  	s14 =	rddreg [dreg:$0x1a]  }
0x80: {  	[tilespmem:s24], [sflag:$0x2] =	stream.linear.gather [hbm4b:s19+s17], $0x80, $0x38;
	[tilespmem:$0x11000] =	vst v63  }
0x81: {  	s15 =	rddreg [dreg:$0x1b]  }
0x82: {  	[tilespmem:s25], [sflag:$0x2] =	stream.linear.gather [hbm4b:s14+s17], $0x80, $0x38;
	[tilespmem:$0x11000] =	vst v63  }
0x83: {  	s16 =	rddreg [dreg:$0x1c]  }
0x84: {  	[tilespmem:s26], [sflag:$0x2] =	stream.linear.gather [hbm4b:s15+s17], $0x80, $0x38;
	[tilespmem:$0x11000] =	vst v63  }
0x85: {  	s18 =	rddreg [dreg:$0x1d]  }
0x86: {  	[tilespmem:s28], [sflag:$0x2] =	stream.linear.gather [hbm4b:s16+s17], $0x80, $0x38;
	[tilespmem:$0x11000] =	vst v63  }
0x87: {  	s19 =	rddreg [dreg:$0x1e]  }
0x88: {  	[tilespmem:s29], [sflag:$0x2] =	stream.linear.gather [hbm4b:s18+s17], $0x80, $0x38;
	[tilespmem:$0x11000] =	vst v63  }
0x89: {  	s14 =	rddreg [dreg:$0x1f]  }
0x8a: {  	[tilespmem:s30], [sflag:$0x2] =	stream.linear.gather [hbm4b:s19+s17], $0x80, $0x38;
	[tilespmem:$0x11000] =	vst v63  }
0x8b: {  	s15 =	sld [smem:$0x7FA]  }
0x8c: {  	[tilespmem:s31], [sflag:$0x2] =	stream.linear.gather [hbm4b:s14+s17], $0x80, $0x38;
	[tilespmem:$0x11000] =	vst v63  }
0x8d: {  	s16 =	sld [smem:$0x7FB]  }
0x8e: {  	[tilespmem:s0], [sflag:$0x2] =	stream.linear.gather [hbm4b:s15+s17], $0x80, $0x38;
	[tilespmem:$0x11000] =	vst v63  }
0x8f: {  	s18 =	sld [smem:$0x7FC]  }
0x90: {  	[tilespmem:s2], [sflag:$0x2] =	stream.linear.gather [hbm4b:s16+s17], $0x80, $0x38;
	[tilespmem:$0x11000] =	vst v63  }
0x91: {  	s19 =	sld [smem:$0x7FD]  }
0x92: {  	[tilespmem:s7], [sflag:$0x2] =	stream.linear.gather [hbm4b:s18+s17], $0x80, $0x38;
	[tilespmem:$0x11000] =	vst v63  }
0x93: {  	_ = 	snop  }
0x94: {  	[tilespmem:s11], [sflag:$0x2] =	stream.linear.gather [hbm4b:s19+s17], $0x80, $0x38;
	[tilespmem:$0x11000] =	vst v63  }
.LBB2_4:
0x95: {  	_ =	swait.ge [sflag:s12], $0x800  }
0x96: {  	p0 =	seq.s32 s17, $0x0;
	[sflag:s12] =	ssyncset.done $0x0  }
0x97: {  	s18 =	sshll.u32 s17, $0xC;
	s6 =	simm.s32 @!p0 $0x3;
	[sflag:s12] =	ssyncadd.s32 $0xFFFFF800  }
0x98: {  	s14 =	sshll.u32 s17, $0xD;
	s15 =	simm.s32 $0x1000;
	_ =	swait.ge @!p0 [sflag:s6], $0x8000  }
0x99: {  	s16 =	simm.s32 $0x1100;
	s14 =	sadd.s32 s14, s8;
	[sflag:s6] =	ssyncset.done @!p0 $0x0  }
0x9a: {  	s19 =	sadd.s32 $0x0, s14;
	[sflag:s6] =	ssyncadd.s32 @!p0 $0xFFFF8000;
	s6 =	simm.s32 $0x10  }
.LBB2_5:
0x9b: {  	[hbm4b:s19+s3] =	stream.linear.scatter [tilespmem:s15], [sflag:$0x3], $0x80, $0x38;
	[tilespmem:$0x11000] =	vst v63  }
0x9c: {  	s19 =	smov.u32 s6;
	s15 =	smov.u32 s16;
	p1 =	sne.s32 s6, $0xFF0  }
.Ltmp3:
0x9d: {  	s6 =	sadd.s32 $0x10, s6;
	(pc) =	sbr.rel @p1 .LBB2_5-.Ltmp3, $2  }
0x9e: {  	_ =	sdelay $0x2  }
0x9f: {  	s16 =	sadd.s32 $0x100, s16;
	s19 =	sadd.s32 s19, s14  }
0xa0: {  	[hbm4b:s19+s3] =	stream.linear.scatter [tilespmem:s15], [sflag:$0x3], $0x80, $0x38;
	[tilespmem:$0x11000] =	vst v63  }
0xa1: {  	p1 =	seq.s32 s17, $0x1F  }
0xa2: {  	s6 =	sadd.s32 @!p1 s18, s9  }
0xa3: {  	s6 =	sshrl.u32 @!p1 s6, $0x3  }
0xa4: {  	s14 =	simm.s32 @!p1 $0x0;
	s6 =	sadd.s32 @!p1 s1, s6  }
0xa5: {  	[tilespmem:s14], [sflag:$0x1] =	stream.linear.gather @!p1 [hbm4b:s6+s14], $0x80, $0x38;
	[tilespmem:$0x11000] =	vst v63  }
0xa6: {  	s16 =	simm.s32 @!p1 $0x100;
	s15 =	sadd.s32 @!p1 $0x10, s6  }
0xa7: {  	[tilespmem:s16], [sflag:$0x1] =	stream.linear.gather @!p1 [hbm4b:s15+s14], $0x80, $0x38;
	[tilespmem:$0x11000] =	vst v63  }
0xa8: {  	s15 =	sadd.s32 @!p1 $0x20, s6;
	s16 =	simm.s32 @!p1 $0x200  }
0xa9: {  	[tilespmem:s16], [sflag:$0x1] =	stream.linear.gather @!p1 [hbm4b:s15+s14], $0x80, $0x38;
	[tilespmem:$0x11000] =	vst v63  }
0xaa: {  	s15 =	sadd.s32 @!p1 $0x30, s6;
	s16 =	simm.s32 @!p1 $0x300  }
0xab: {  	[tilespmem:s16], [sflag:$0x1] =	stream.linear.gather @!p1 [hbm4b:s15+s14], $0x80, $0x38;
	[tilespmem:$0x11000] =	vst v63  }
0xac: {  	s15 =	sadd.s32 @!p1 $0x40, s6;
	s16 =	simm.s32 @!p1 $0x400  }
0xad: {  	[tilespmem:s16], [sflag:$0x1] =	stream.linear.gather @!p1 [hbm4b:s15+s14], $0x80, $0x38;
	[tilespmem:$0x11000] =	vst v63  }
0xae: {  	s15 =	sadd.s32 @!p1 $0x50, s6;
	s16 =	simm.s32 @!p1 $0x500  }
0xaf: {  	[tilespmem:s16], [sflag:$0x1] =	stream.linear.gather @!p1 [hbm4b:s15+s14], $0x80, $0x38;
	[tilespmem:$0x11000] =	vst v63  }
0xb0: {  	s15 =	sadd.s32 @!p1 $0x60, s6;
	s16 =	simm.s32 @!p1 $0x600  }
0xb1: {  	[tilespmem:s16], [sflag:$0x1] =	stream.linear.gather @!p1 [hbm4b:s15+s14], $0x80, $0x38;
	[tilespmem:$0x11000] =	vst v63  }
0xb2: {  	s15 =	sadd.s32 @!p1 $0x70, s6;
	s16 =	simm.s32 @!p1 $0x700  }
0xb3: {  	[tilespmem:s16], [sflag:$0x1] =	stream.linear.gather @!p1 [hbm4b:s15+s14], $0x80, $0x38;
	[tilespmem:$0x11000] =	vst v63  }
0xb4: {  	s15 =	sadd.s32 @!p1 $0x80, s6;
	s16 =	simm.s32 @!p1 $0x800  }
0xb5: {  	[tilespmem:s16], [sflag:$0x1] =	stream.linear.gather @!p1 [hbm4b:s15+s14], $0x80, $0x38;
	[tilespmem:$0x11000] =	vst v63  }
0xb6: {  	s15 =	sadd.s32 @!p1 $0x90, s6;
	s16 =	simm.s32 @!p1 $0x900  }
0xb7: {  	[tilespmem:s16], [sflag:$0x1] =	stream.linear.gather @!p1 [hbm4b:s15+s14], $0x80, $0x38;
	[tilespmem:$0x11000] =	vst v63  }
0xb8: {  	s15 =	sadd.s32 @!p1 $0xA0, s6;
	s16 =	simm.s32 @!p1 $0xA00  }
0xb9: {  	[tilespmem:s16], [sflag:$0x1] =	stream.linear.gather @!p1 [hbm4b:s15+s14], $0x80, $0x38;
	[tilespmem:$0x11000] =	vst v63  }
0xba: {  	s15 =	sadd.s32 @!p1 $0xB0, s6;
	s16 =	simm.s32 @!p1 $0xB00  }
0xbb: {  	[tilespmem:s16], [sflag:$0x1] =	stream.linear.gather @!p1 [hbm4b:s15+s14], $0x80, $0x38;
	[tilespmem:$0x11000] =	vst v63  }
0xbc: {  	s15 =	sadd.s32 @!p1 $0xC0, s6;
	s16 =	simm.s32 @!p1 $0xC00  }
0xbd: {  	[tilespmem:s16], [sflag:$0x1] =	stream.linear.gather @!p1 [hbm4b:s15+s14], $0x80, $0x38;
	[tilespmem:$0x11000] =	vst v63  }
0xbe: {  	s15 =	sadd.s32 @!p1 $0xD0, s6;
	s16 =	simm.s32 @!p1 $0xD00  }
0xbf: {  	[tilespmem:s16], [sflag:$0x1] =	stream.linear.gather @!p1 [hbm4b:s15+s14], $0x80, $0x38;
	[tilespmem:$0x11000] =	vst v63  }
0xc0: {  	s15 =	sadd.s32 @!p1 $0xE0, s6;
	s16 =	simm.s32 @!p1 $0xE00  }
0xc1: {  	[tilespmem:s16], [sflag:$0x1] =	stream.linear.gather @!p1 [hbm4b:s15+s14], $0x80, $0x38;
	[tilespmem:$0x11000] =	vst v63  }
0xc2: {  	s6 =	sadd.s32 @!p1 $0xF0, s6;
	s15 =	simm.s32 @!p1 $0xF00  }
0xc3: {  	[tilespmem:s15], [sflag:$0x1] =	stream.linear.gather @!p1 [hbm4b:s6+s14], $0x80, $0x38;
	[tilespmem:$0x11000] =	vst v63  }
0xc4: {  	_ =	swait.ge [sflag:s13], $0x800  }
0xc5: {  	[sflag:s13] =	ssyncset.done $0x0  }
0xc6: {  	s19 =	sadd.s32 s18, s4;
	s14 =	simm.s32 @!p0 $0x4;
	[sflag:s13] =	ssyncadd.s32 $0xFFFFF800  }
0xc7: {  	s6 =	sadd.s32 $0x800, s19;
	_ =	swait.ge @!p0 [sflag:s14], $0x8000  }
0xc8: {  	s6 =	sshll.u32 s6, $0x1;
	[sflag:s14] =	ssyncset.done @!p0 $0x0  }
0xc9: {  	s16 =	simm.s32 $0x1180;
	[sflag:s14] =	ssyncadd.s32 @!p0 $0xFFFF8000;
	s14 =	sadd.s32 s5, s6  }
0xca: {  	s15 =	simm.s32 $0x1080;
	s6 =	simm.s32 $0x10;
	s19 =	sadd.s32 $0x0, s14  }
.LBB2_7:
0xcb: {  	[hbm4b:s19+s3] =	stream.linear.scatter [tilespmem:s15], [sflag:$0x4], $0x80, $0x38;
	[tilespmem:$0x11000] =	vst v63  }
0xcc: {  	s19 =	smov.u32 s6;
	s15 =	smov.u32 s16;
	p0 =	sne.s32 s6, $0xFF0  }
.Ltmp4:
0xcd: {  	s6 =	sadd.s32 $0x10, s6;
	(pc) =	sbr.rel @p0 .LBB2_7-.Ltmp4, $2  }
0xce: {  	_ =	sdelay $0x2  }
0xcf: {  	s16 =	sadd.s32 $0x100, s16;
	s19 =	sadd.s32 s19, s14  }
.Ltmp5:
0xd0: {  	(pc) =	sbr.rel @p1 .LBB2_10-.Ltmp5, $2  }
0xd1: {  	_ =	sdelay $0x2  }
0xd2: {  	[hbm4b:s19+s3] =	stream.linear.scatter [tilespmem:s15], [sflag:$0x4], $0x80, $0x38;
	[tilespmem:$0x11000] =	vst v63  }
0xd3: {  	s6 =	sadd.s32 s18, s10  }
0xd4: {  	s6 =	sshrl.u32 s6, $0x3  }
0xd5: {  	s14 =	simm.s32 $0x80;
	s6 =	sadd.s32 s1, s6  }
0xd6: {  	[tilespmem:s14], [sflag:$0x2] =	stream.linear.gather [hbm4b:s6+s3], $0x80, $0x38;
	[tilespmem:$0x11000] =	vst v63  }
0xd7: {  	s18 =	sadd.s32 $0x10, s6  }
0xd8: {  	[tilespmem:s20], [sflag:$0x2] =	stream.linear.gather [hbm4b:s18+s3], $0x80, $0x38;
	[tilespmem:$0x11000] =	vst v63  }
0xd9: {  	s19 =	sadd.s32 $0x20, s6  }
0xda: {  	[tilespmem:s21], [sflag:$0x2] =	stream.linear.gather [hbm4b:s19+s3], $0x80, $0x38;
	[tilespmem:$0x11000] =	vst v63  }
0xdb: {  	s15 =	sadd.s32 $0x30, s6  }
0xdc: {  	[tilespmem:s22], [sflag:$0x2] =	stream.linear.gather [hbm4b:s15+s3], $0x80, $0x38;
	[tilespmem:$0x11000] =	vst v63  }
0xdd: {  	s16 =	sadd.s32 $0x40, s6  }
0xde: {  	[tilespmem:s23], [sflag:$0x2] =	stream.linear.gather [hbm4b:s16+s3], $0x80, $0x38;
	[tilespmem:$0x11000] =	vst v63  }
0xdf: {  	s18 =	sadd.s32 $0x50, s6  }
0xe0: {  	[tilespmem:s24], [sflag:$0x2] =	stream.linear.gather [hbm4b:s18+s3], $0x80, $0x38;
	[tilespmem:$0x11000] =	vst v63  }
0xe1: {  	s19 =	sadd.s32 $0x60, s6  }
0xe2: {  	[tilespmem:s25], [sflag:$0x2] =	stream.linear.gather [hbm4b:s19+s3], $0x80, $0x38;
	[tilespmem:$0x11000] =	vst v63  }
0xe3: {  	s15 =	sadd.s32 $0x70, s6  }
0xe4: {  	[tilespmem:s26], [sflag:$0x2] =	stream.linear.gather [hbm4b:s15+s3], $0x80, $0x38;
	[tilespmem:$0x11000] =	vst v63  }
0xe5: {  	s16 =	sadd.s32 $0x80, s6  }
0xe6: {  	[tilespmem:s28], [sflag:$0x2] =	stream.linear.gather [hbm4b:s16+s3], $0x80, $0x38;
	[tilespmem:$0x11000] =	vst v63  }
0xe7: {  	s18 =	sadd.s32 $0x90, s6  }
0xe8: {  	[tilespmem:s29], [sflag:$0x2] =	stream.linear.gather [hbm4b:s18+s3], $0x80, $0x38;
	[tilespmem:$0x11000] =	vst v63  }
0xe9: {  	s19 =	sadd.s32 $0xA0, s6  }
0xea: {  	[tilespmem:s30], [sflag:$0x2] =	stream.linear.gather [hbm4b:s19+s3], $0x80, $0x38;
	[tilespmem:$0x11000] =	vst v63  }
0xeb: {  	s15 =	sadd.s32 $0xB0, s6  }
0xec: {  	[tilespmem:s31], [sflag:$0x2] =	stream.linear.gather [hbm4b:s15+s3], $0x80, $0x38;
	[tilespmem:$0x11000] =	vst v63  }
0xed: {  	s16 =	sadd.s32 $0xC0, s6  }
0xee: {  	[tilespmem:s0], [sflag:$0x2] =	stream.linear.gather [hbm4b:s16+s3], $0x80, $0x38;
	[tilespmem:$0x11000] =	vst v63  }
0xef: {  	s18 =	sadd.s32 $0xD0, s6  }
0xf0: {  	[tilespmem:s2], [sflag:$0x2] =	stream.linear.gather [hbm4b:s18+s3], $0x80, $0x38;
	[tilespmem:$0x11000] =	vst v63  }
.Ltmp6:
0xf1: {  	_ = 	snop;
	(pc) =	sbr.rel .LBB2_4-.Ltmp6, $4  }
0xf2: {  	s19 =	sadd.s32 $0xE0, s6  }
0xf3: {  	[tilespmem:s7], [sflag:$0x2] =	stream.linear.gather [hbm4b:s19+s3], $0x80, $0x38;
	[tilespmem:$0x11000] =	vst v63  }
0xf4: {  	s17 =	sadd.s32 $0x1, s17;
	s6 =	sadd.s32 $0xF0, s6  }
0xf5: {  	[tilespmem:s11], [sflag:$0x2] =	stream.linear.gather [hbm4b:s6+s3], $0x80, $0x38;
	[tilespmem:$0x11000] =	vst v63  }
.LBB2_11:
0xf6: {  	_ =	sfence.sel $0x180000  }
0xf7: {  	[bflag:$0x0] =	sbarrier.arrive $0xFFFF  }
0xf8: {  	_ =	strace $0x90000047  }
0xf9: {  	s0 =	stileid.u32;
	[bflag:$0x2] =	sbarrier.arrive $0xFFFF  }
0xfa: {  	p0 =	sne.s32 s0, $0x0;
	s0 =	rddreg [dreg:$0x2]  }
0xfb: {  	s0 =	sadd.s32 @!p0 $0x100000, s0  }
0xfc: {  	[sflag:s0] =	ssyncadd.tile.s32 @!p0 $0x1;
	_ =	shalt  }
.Lfunc_end2:
_tile_overlayer_lowered:
.L_overlay_start_2:
0xfd: {  	(tag) =	ssettag $0x2  }
0xfe: {  	s0 =	rddreg [dreg:$0x0];
	s2 =	stileid.u32  }
0xff: {  	s1 =	rddreg [dreg:$0x1];
	p0 =	sne.s32 s2, $0x0  }
0x100: {  	s3 =	rddreg [dreg:$0x2];
	[bflag:$0x3] =	sbarrier.arrive $0xFFFF;
	s2 =	simm.s32 @!p0 $0x1C05  }
0x101: {  	[timem:s3], [sflag:s2] =	dma.local @!p0 [hbm:s0], s1  }
0x102: {  	s0 =	simm.s32 @!p0 $0x5  }
0x103: {  	_ =	swait.ge @!p0 [sflag:s0], s1  }
0x104: {  	s1 =	ssub.s32 @!p0 $0x0, s1;
	[sflag:s0] =	ssyncset.done @!p0 $0x0  }
0x105: {  	[sflag:s0] =	ssyncadd.s32 @!p0 s1  }
0x106: {  	[bflag:$0x3] =	sbarrier.arrive $0xFFFF  }
0x107: {  	_ =	shalt  }

</sc_bundles>
